<compile_context>
chip_gen: v7x
topology: tpu7x:2x2x1
jax: 0.10.2.dev20260603
libtpu: 0.0.44.dev20260713+nightly
codegen_flags: <defaults>
</compile_context>

<pallas_src>
import functools

import jax
import jax.numpy as jnp
from jax import lax
from jax.experimental import pallas as pl
from jax.experimental.pallas import tpu as pltpu
from jax.experimental.pallas import tpu_sc as plsc

N_NODES = 10000
N_EDGES = 320000
D = 128

NW = 32
CHUNK = 80
NCHUNK = 125
EPT = 10000
N_PAD = 10112
ROWS_PER_TILE = N_PAD // 16
DEG_N = 10000
ZBUF = 1280


def _sc_agg_kernel(x_hbm, comb_hbm,
                   agg_out, deg_out,
                   comb_v, src_a, dst_a, doff_a, src_b, dst_b,
                   doff_b, rows_a, rows_b, ones_v, zbuf,
                   agg_s, deg_s, sem_a, sem_b):
    c = lax.axis_index("c")
    s = lax.axis_index("s")
    wid = c * 16 + s
    soff = s * DEG_N

    pltpu.async_copy(comb_hbm.at[wid], comb_v, sem_a)

    def unpack(j, src_c, dst_c, doff_c):
        for t in range(CHUNK // 16):
            cv = comb_v[j, pl.ds(t * 16, 16)]
            sv = jnp.bitwise_and(cv, 0xFFFF)
            dv = lax.shift_right_logical(cv, 16)
            src_c[pl.ds(t * 16, 16)] = sv
            dst_c[pl.ds(t * 16, 16)] = dv
            doff_c[pl.ds(t * 16, 16)] = dv + soff

    def gather(src_c, rows_v, sem):
        pltpu.async_copy(x_hbm.at[src_c], rows_v, sem)

    def drain(src_c, rows_v, sem):
        pltpu.make_async_copy(x_hbm.at[src_c], rows_v, sem).wait()

    def scatter_rows(dst_c, rows_v):
        pltpu.sync_copy(rows_v, agg_s.at[dst_c], add=True)

    def deg_add(doff_c):
        pltpu.sync_copy(ones_v, deg_s.at[doff_c], add=True)

    ones = jnp.full((16,), 1.0, jnp.float32)
    zeros = jnp.zeros((16,), jnp.float32)
    for t in range(CHUNK // 16):
        ones_v[pl.ds(t * 16, 16)] = ones

    def zrows_body(i, carry):
        r = i // (D // 16)
        t = i % (D // 16)
        rows_b[r, pl.ds(t * 16, 16)] = zeros
        return carry
    lax.fori_loop(0, CHUNK * (D // 16), zrows_body, 0)
    base = s * ROWS_PER_TILE
    for b in range(ROWS_PER_TILE // CHUNK):
        pltpu.sync_copy(rows_b, agg_s.at[pl.ds(base + b * CHUNK, CHUNK)])
    rem = ROWS_PER_TILE % CHUNK
    if rem:
        pltpu.sync_copy(
            rows_b.at[pl.ds(0, rem)],
            agg_s.at[pl.ds(base + (ROWS_PER_TILE // CHUNK) * CHUNK, rem)])

    def zbuf_body(t, carry):
        zbuf[pl.ds(t * 16, 16)] = zeros
        return carry
    lax.fori_loop(0, ZBUF // 16, zbuf_body, 0)
    for i in range(DEG_N // ZBUF):
        pltpu.sync_copy(zbuf, deg_s.at[pl.ds(soff + i * ZBUF, ZBUF)])
    drem = DEG_N % ZBUF
    if drem:
        pltpu.sync_copy(zbuf.at[pl.ds(0, drem)],
                        deg_s.at[pl.ds(soff + (DEG_N // ZBUF) * ZBUF, drem)])

    pltpu.make_async_copy(comb_hbm.at[wid], comb_v, sem_a).wait()
    unpack(0, src_a, dst_a, doff_a)
    gather(src_a, rows_a, sem_a)
    deg_add(doff_a)
    plsc.subcore_barrier()

    def pair_body(k, carry):
        unpack(2 * k + 1, src_b, dst_b, doff_b)
        gather(src_b, rows_b, sem_b)
        deg_add(doff_b)
        drain(src_a, rows_a, sem_a)
        scatter_rows(dst_a, rows_a)
        unpack(2 * k + 2, src_a, dst_a, doff_a)
        gather(src_a, rows_a, sem_a)
        deg_add(doff_a)
        drain(src_b, rows_b, sem_b)
        scatter_rows(dst_b, rows_b)
        return carry

    lax.fori_loop(0, (NCHUNK - 1) // 2, pair_body, 0)
    drain(src_a, rows_a, sem_a)
    scatter_rows(dst_a, rows_a)
    plsc.subcore_barrier()

    pltpu.sync_copy(agg_s.at[pl.ds(base, ROWS_PER_TILE)],
                    agg_out.at[c, pl.ds(base, ROWS_PER_TILE)])
    for i in range(DEG_N // ZBUF):
        pltpu.sync_copy(deg_s.at[pl.ds(soff + i * ZBUF, ZBUF)], zbuf)
        pltpu.sync_copy(zbuf, deg_out.at[pl.ds(wid * DEG_N + i * ZBUF, ZBUF)])
    if DEG_N % ZBUF:
        i = DEG_N // ZBUF
        drem = DEG_N % ZBUF
        pltpu.sync_copy(deg_s.at[pl.ds(soff + i * ZBUF, drem)],
                        zbuf.at[pl.ds(0, drem)])
        pltpu.sync_copy(zbuf.at[pl.ds(0, drem)],
                        deg_out.at[pl.ds(wid * DEG_N + i * ZBUF, drem)])


def _sc_agg(x, comb_r):
    mesh = plsc.VectorSubcoreMesh(core_axis_name="c", subcore_axis_name="s")
    fn = functools.partial(
        pl.kernel,
        mesh=mesh,
        out_type=[
            jax.ShapeDtypeStruct((2, N_PAD, D), jnp.float32),
            jax.ShapeDtypeStruct((NW * DEG_N,), jnp.float32),
        ],
        scratch_types=[
            pltpu.VMEM((NCHUNK, CHUNK), jnp.int32),
            pltpu.VMEM((CHUNK,), jnp.int32),
            pltpu.VMEM((CHUNK,), jnp.int32),
            pltpu.VMEM((CHUNK,), jnp.int32),
            pltpu.VMEM((CHUNK,), jnp.int32),
            pltpu.VMEM((CHUNK,), jnp.int32),
            pltpu.VMEM((CHUNK,), jnp.int32),
            pltpu.VMEM((CHUNK, D), jnp.float32),
            pltpu.VMEM((CHUNK, D), jnp.float32),
            pltpu.VMEM((CHUNK,), jnp.float32),
            pltpu.VMEM((ZBUF,), jnp.float32),
            pltpu.VMEM_SHARED((N_PAD, D), jnp.float32),
            pltpu.VMEM_SHARED((16 * DEG_N,), jnp.float32),
            pltpu.SemaphoreType.DMA,
            pltpu.SemaphoreType.DMA,
        ],
    )
    return fn(_sc_agg_kernel)(x, comb_r)


def _tc_matmul1_kernel(x_ref, w_ref, o_ref):
    o_ref[...] = lax.dot_general(
        x_ref[...], w_ref[...][:, :D], (((1,), (1,)), ((), ())),
        preferred_element_type=jnp.float32)


def _tc_matmul1(x, w):
    blk = 1000
    return pl.pallas_call(
        _tc_matmul1_kernel,
        grid=(N_NODES // blk,),
        in_specs=[
            pl.BlockSpec((blk, D), lambda i: (i, 0)),
            pl.BlockSpec((D, 2 * D), lambda i: (0, 0)),
        ],
        out_specs=pl.BlockSpec((blk, D), lambda i: (i, 0)),
        out_shape=jax.ShapeDtypeStruct((N_NODES, D), jnp.float32),
    )(x, w)


def _tc_combine_kernel(out1_ref, agg_ref, deg_ref, w_ref, o_ref):
    deg = jnp.sum(deg_ref[...], axis=1)
    den = jnp.maximum(deg, 1.0)
    agg = agg_ref[0] + agg_ref[1]
    nb = agg / den[:, None]
    out = out1_ref[...] + lax.dot_general(
        nb, w_ref[...][:, D:], (((1,), (1,)), ((), ())),
        preferred_element_type=jnp.float32)
    o_ref[...] = out


def _tc_combine(out1, agg_p, deg_p, w):
    blk = 1000
    grid = (N_NODES // blk,)
    return pl.pallas_call(
        _tc_combine_kernel,
        grid=grid,
        in_specs=[
            pl.BlockSpec((blk, D), lambda i: (i, 0)),
            pl.BlockSpec((2, blk, D), lambda i: (0, i, 0)),
            pl.BlockSpec((blk, NW), lambda i: (i, 0)),
            pl.BlockSpec((D, 2 * D), lambda i: (0, 0)),
        ],
        out_specs=pl.BlockSpec((blk, D), lambda i: (i, 0)),
        out_shape=jax.ShapeDtypeStruct((N_NODES, D), jnp.float32),
    )(out1, agg_p, deg_p, w)


@jax.jit
def kernel(X, adj, W):
    src = adj[0].astype(jnp.int32)
    dst = adj[1].astype(jnp.int32)
    comb = (src + (dst << 16)).reshape(NW, NCHUNK, CHUNK)
    agg_p, deg_p = _sc_agg(X, comb)
    out1 = _tc_matmul1(X, W)
    deg_p = deg_p.reshape(NW, DEG_N)[:, :N_NODES].T
    return _tc_combine(out1, agg_p, deg_p, W)

# --- scband reference (transcript-rebuilt; emitter-appended) ---
"""Pipeline reference for scband-graph-sageconv-14766097563781 (READ-ONLY COPY).

The authoritative reference and input builder live on the scoring server;
editing this copy changes nothing except your own understanding.
"""

import jax, jax.numpy as jnp
import numpy as np

N_NODES = 10000
N_EDGES = 320000
D_IN = 128
D_OUT = 128


def setup_inputs(seed: int = 0) -> dict:
    key = jax.random.key(seed)
    k1, k2, k3 = jax.random.split(key, 3)
    X = jax.random.normal(k1, (N_NODES, D_IN), dtype=jnp.float32)
    adj = jax.random.randint(k2, (2, N_EDGES), 0, N_NODES, dtype=jnp.int64)
    # Linear(2*in_features, out_features, bias=False): weight shape [out, 2*in]
    W = jax.random.normal(k3, (D_OUT, 2 * D_IN), dtype=jnp.float32) * (1.0 / np.sqrt(2 * D_IN))
    return {"X": X, "adj": adj, "W": W}


def reference(X, adj, W):
    # aggregation = mean over incoming neighbors, using edge-list adjacency
    src = adj[0]
    dst = adj[1]
    msgs = jnp.take(X, src, axis=0)                       # gather  [E, d]
    agg = jax.ops.segment_sum(msgs, dst, num_segments=X.shape[0])  # scatter-add [N, d]
    deg = jax.ops.segment_sum(jnp.ones((dst.shape[0],), dtype=X.dtype), dst,
                              num_segments=X.shape[0])
    nb_agg = agg / jnp.clip(deg, 1.0, None)[:, None]      # mean
    X_with_nb_agg = jnp.concatenate([X, nb_agg], axis=1)  # [N, 2d]
    result = X_with_nb_agg @ W.T                          # Linear, no bias
    return result

if __name__ == "__main__":
    import jax
    _d = setup_inputs()
    print(jax.jit(kernel)(*tuple(_d.values())))

</pallas_src>

<mosaic_0001>
#map = affine_map<(d0, d1) -> (0, 0)>
#map1 = affine_map<(d0, d1) -> (0, 0, 0)>
#map2 = affine_map<(d0, d1) -> (0)>
module attributes {stable_mosaic.version = 14 : i64} {
  func.func @_sc_agg_kernel(%arg0: i32, %arg1: i32, %arg2: memref<10000x128xf32, #tpu.memory_space<hbm>>, %arg3: memref<32x125x80xi32, #tpu.memory_space<hbm>>, %arg4: memref<2x10112x128xf32, #tpu.memory_space<hbm>>, %arg5: memref<320000xf32, #tpu.memory_space<hbm>>, %arg6: memref<125x80xi32, #tpu.memory_space<vmem>>, %arg7: memref<80xi32, #tpu.memory_space<vmem>>, %arg8: memref<80xi32, #tpu.memory_space<vmem>>, %arg9: memref<80xi32, #tpu.memory_space<vmem>>, %arg10: memref<80xi32, #tpu.memory_space<vmem>>, %arg11: memref<80xi32, #tpu.memory_space<vmem>>, %arg12: memref<80xi32, #tpu.memory_space<vmem>>, %arg13: memref<80x128xf32, #tpu.memory_space<vmem>>, %arg14: memref<80x128xf32, #tpu.memory_space<vmem>>, %arg15: memref<80xf32, #tpu.memory_space<vmem>>, %arg16: memref<1280xf32, #tpu.memory_space<vmem>>, %arg17: memref<10112x128xf32, #tpu.memory_space<vmem_shared>>, %arg18: memref<160000xf32, #tpu.memory_space<vmem_shared>>, %arg19: memref<!tpu.dma_semaphore, #tpu.memory_space<semaphore_mem>>, %arg20: memref<!tpu.dma_semaphore, #tpu.memory_space<semaphore_mem>>) attributes {dimension_semantics = [#tpu.dimension_semantics<core_parallel>, #tpu.dimension_semantics<subcore_parallel>], iteration_bounds = array<i64: 2, 16>, scalar_prefetch = 0 : i64, scratch_operands = 15 : i64, tpu.core_type = #tpu.core_type<sc_vector_subcore>, window_params = [{transform_indices = #map}, {transform_indices = #map1}, {transform_indices = #map1}, {transform_indices = #map2}]} {
    %mul3A = arith.constant 16 : i32
    %mul3A_0 = arith.muli %arg0, %mul3A : i32
    %add3A = arith.addi %mul3A_0, %arg1 : i32
    %mul3A_1 = arith.constant 10000 : i32
    %mul3A_2 = arith.muli %arg1, %mul3A_1 : i32
    %dma_start3A = arith.constant 0 : i32
    %dma_start3A_3 = arith.constant 0 : i32
    %dma_start3A_4 = tpu.memref_slice %arg3[%add3A, %dma_start3A, %dma_start3A_3] : memref<32x125x80xi32, #tpu.memory_space<hbm>> -> memref<1x125x80xi32, #tpu.memory_space<hbm>>
    %dma_start3A_5 = tpu.memref_squeeze %dma_start3A_4 : memref<1x125x80xi32, #tpu.memory_space<hbm>> -> memref<125x80xi32, #tpu.memory_space<hbm>>
    %dma_start3A_6 = arith.constant 0 : i32
    %dma_start3A_7 = arith.constant 0 : i32
    %dma_start3A_8 = tpu.memref_slice %arg3[%add3A, %dma_start3A_6, %dma_start3A_7] : memref<32x125x80xi32, #tpu.memory_space<hbm>> -> memref<1x125x80xi32, #tpu.memory_space<hbm>>
    %dma_start3A_9 = tpu.memref_squeeze %dma_start3A_8 : memref<1x125x80xi32, #tpu.memory_space<hbm>> -> memref<125x80xi32, #tpu.memory_space<hbm>>
    tpu.enqueue_dma source(%dma_start3A_9 : memref<125x80xi32, #tpu.memory_space<hbm>>) target(%arg6 : memref<125x80xi32, #tpu.memory_space<vmem>>) target_semaphore(%arg19 : memref<!tpu.dma_semaphore, #tpu.memory_space<semaphore_mem>>)
    %broadcast_in_dim3A = arith.constant 1.000000e+00 : f32
    %broadcast_in_dim3A_10 = vector.broadcast %broadcast_in_dim3A : f32 to vector<16xf32>
    %broadcast_in_dim3A_11 = arith.constant 0.000000e+00 : f32
    %broadcast_in_dim3A_12 = vector.broadcast %broadcast_in_dim3A_11 : f32 to vector<16xf32>
    %swap3A = arith.constant 0 : index
    %swap3A_13 = tpu.vector_load %arg15[%swap3A] {strides = array<i32>} : memref<80xf32, #tpu.memory_space<vmem>>, vector<16xf32>,
    %swap3A_14 = vector.shape_cast %swap3A_13 : vector<16xf32> to vector<16xf32>
    %swap3A_15 = vector.shape_cast %broadcast_in_dim3A_10 : vector<16xf32> to vector<16xf32>
    tpu.vector_store %arg15[%swap3A], %swap3A_15 {strides = array<i32>} : memref<80xf32, #tpu.memory_space<vmem>>, vector<16xf32>,
    %swap3A_16 = arith.constant 16 : index
    %swap3A_17 = tpu.vector_load %arg15[%swap3A_16] {strides = array<i32>} : memref<80xf32, #tpu.memory_space<vmem>>, vector<16xf32>,
    %swap3A_18 = vector.shape_cast %swap3A_17 : vector<16xf32> to vector<16xf32>
    %swap3A_19 = vector.shape_cast %broadcast_in_dim3A_10 : vector<16xf32> to vector<16xf32>
    tpu.vector_store %arg15[%swap3A_16], %swap3A_19 {strides = array<i32>} : memref<80xf32, #tpu.memory_space<vmem>>, vector<16xf32>,
    %swap3A_20 = arith.constant 32 : index
    %swap3A_21 = tpu.vector_load %arg15[%swap3A_20] {strides = array<i32>} : memref<80xf32, #tpu.memory_space<vmem>>, vector<16xf32>,
    %swap3A_22 = vector.shape_cast %swap3A_21 : vector<16xf32> to vector<16xf32>
    %swap3A_23 = vector.shape_cast %broadcast_in_dim3A_10 : vector<16xf32> to vector<16xf32>
    tpu.vector_store %arg15[%swap3A_20], %swap3A_23 {strides = array<i32>} : memref<80xf32, #tpu.memory_space<vmem>>, vector<16xf32>,
    %swap3A_24 = arith.constant 48 : index
    %swap3A_25 = tpu.vector_load %arg15[%swap3A_24] {strides = array<i32>} : memref<80xf32, #tpu.memory_space<vmem>>, vector<16xf32>,
    %swap3A_26 = vector.shape_cast %swap3A_25 : vector<16xf32> to vector<16xf32>
    %swap3A_27 = vector.shape_cast %broadcast_in_dim3A_10 : vector<16xf32> to vector<16xf32>
    tpu.vector_store %arg15[%swap3A_24], %swap3A_27 {strides = array<i32>} : memref<80xf32, #tpu.memory_space<vmem>>, vector<16xf32>,
    %swap3A_28 = arith.constant 64 : index
    %swap3A_29 = tpu.vector_load %arg15[%swap3A_28] {strides = array<i32>} : memref<80xf32, #tpu.memory_space<vmem>>, vector<16xf32>,
    %swap3A_30 = vector.shape_cast %swap3A_29 : vector<16xf32> to vector<16xf32>
    %swap3A_31 = vector.shape_cast %broadcast_in_dim3A_10 : vector<16xf32> to vector<16xf32>
    tpu.vector_store %arg15[%swap3A_28], %swap3A_31 {strides = array<i32>} : memref<80xf32, #tpu.memory_space<vmem>>, vector<16xf32>,
    %scan3A = arith.constant 0 : i32
    %scan3A_32 = arith.constant 0 : i32
    %scan3A_33 = arith.constant 640 : i32
    %scan3A_34 = arith.addi %scan3A_32, %scan3A_33 : i32
    %scan3A_35 = arith.constant 1 : i32
    scf.for %scan3A_267 = %scan3A_32 to %scan3A_34 step %scan3A_35  : i32 {
      %jit3A = arith.constant 8 : i32
      %div3A = arith.divsi %scan3A_267, %jit3A : i32
      %sign3A = arith.constant 0 : i32
      %sign3A_268 = arith.cmpi sgt, %scan3A_267, %sign3A : i32
      %sign3A_269 = arith.extui %sign3A_268 : i1 to i32
      %sign3A_270 = arith.constant 0 : i32
      %sign3A_271 = arith.cmpi slt, %scan3A_267, %sign3A_270 : i32
      %sign3A_272 = arith.extui %sign3A_271 : i1 to i32
      %sign3A_273 = arith.subi %sign3A_269, %sign3A_272 : i32
      %sign3A_274 = arith.constant 0 : i32
      %sign3A_275 = arith.cmpi sgt, %jit3A, %sign3A_274 : i32
      %sign3A_276 = arith.extui %sign3A_275 : i1 to i32
      %sign3A_277 = arith.constant 0 : i32
      %sign3A_278 = arith.cmpi slt, %jit3A, %sign3A_277 : i32
      %sign3A_279 = arith.extui %sign3A_278 : i1 to i32
      %sign3A_280 = arith.subi %sign3A_276, %sign3A_279 : i32
      %ne3A = arith.cmpi ne, %sign3A_273, %sign3A_280 : i32
      %rem3A = arith.remsi %scan3A_267, %jit3A : i32
      %ne3A_281 = arith.constant 0 : i32
      %ne3A_282 = arith.cmpi ne, %rem3A, %ne3A_281 : i32
      %and3A_283 = arith.andi %ne3A, %ne3A_282 : i1
      %sub3A = arith.constant 1 : i32
      %sub3A_284 = arith.subi %div3A, %sub3A : i32
      %select_n3A = arith.select %and3A_283, %sub3A_284, %div3A : i32
      %jit3A_285 = arith.constant 8 : i32
      %eq3A = arith.constant 0 : i32
      %eq3A_286 = arith.cmpi eq, %jit3A_285, %eq3A : i32
      %jit3A_287 = arith.constant 1 : i32
      %select_n3A_288 = arith.select %eq3A_286, %jit3A_287, %jit3A_285 : i32
      %rem3A_289 = arith.remsi %scan3A_267, %select_n3A_288 : i32
      %ne3A_290 = arith.constant 0 : i32
      %ne3A_291 = arith.cmpi ne, %rem3A_289, %ne3A_290 : i32
      %lt3A = arith.constant 0 : i32
      %lt3A_292 = arith.cmpi slt, %rem3A_289, %lt3A : i32
      %lt3A_293 = arith.constant 0 : i32
      %lt3A_294 = arith.cmpi slt, %select_n3A_288, %lt3A_293 : i32
      %ne3A_295 = arith.xori %lt3A_292, %lt3A_294 : i1
      %and3A_296 = arith.andi %ne3A_295, %ne3A_291 : i1
      %add3A_297 = arith.addi %rem3A_289, %select_n3A_288 : i32
      %select_n3A_298 = arith.select %and3A_296, %add3A_297, %rem3A_289 : i32
      %mul3A_299 = arith.constant 16 : i32
      %mul3A_300 = arith.muli %select_n3A_298, %mul3A_299 : i32
      %swap3A_301 = arith.index_cast %select_n3A : i32 to index
      %swap3A_302 = arith.index_cast %mul3A_300 : i32 to index
      %swap3A_303 = tpu.vector_load %arg14[%swap3A_301, %swap3A_302] {strides = array<i32>} : memref<80x128xf32, #tpu.memory_space<vmem>>, vector<1x16xf32>,
      %swap3A_304 = vector.shape_cast %swap3A_303 : vector<1x16xf32> to vector<16xf32>
      %swap3A_305 = vector.shape_cast %broadcast_in_dim3A_12 : vector<16xf32> to vector<1x16xf32>
      tpu.vector_store %arg14[%swap3A_301, %swap3A_302], %swap3A_305 {strides = array<i32>} : memref<80x128xf32, #tpu.memory_space<vmem>>, vector<1x16xf32>,
    }
    %scan3A_36 = arith.constant 640 : i32
    %mul3A_37 = arith.constant 632 : i32
    %mul3A_38 = arith.muli %arg1, %mul3A_37 : i32
    %add3A_39 = arith.constant 0 : i32
    %add3A_40 = arith.addi %mul3A_38, %add3A_39 : i32
    "tpu.region"() ({
      %run_scoped3A = tpu.sem_alloc : memref<!tpu.dma_semaphore, #tpu.memory_space<semaphore_mem>>
      %dma_start3A_267 = arith.constant 0 : i32
      %dma_start3A_268 = tpu.memref_slice %arg17[%add3A_40, %dma_start3A_267] : memref<10112x128xf32, #tpu.memory_space<vmem_shared>> -> memref<80x128xf32, #tpu.memory_space<vmem_shared>>
      %dma_start3A_269 = arith.constant 0 : i32
      %dma_start3A_270 = tpu.memref_slice %arg17[%add3A_40, %dma_start3A_269] : memref<10112x128xf32, #tpu.memory_space<vmem_shared>> -> memref<80x128xf32, #tpu.memory_space<vmem_shared>>
      tpu.enqueue_dma source(%arg14 : memref<80x128xf32, #tpu.memory_space<vmem>>) target(%dma_start3A_270 : memref<80x128xf32, #tpu.memory_space<vmem_shared>>) target_semaphore(%run_scoped3A : memref<!tpu.dma_semaphore, #tpu.memory_space<semaphore_mem>>)
      %dma_wait3A_271 = arith.constant 0 : i32
      %dma_wait3A_272 = tpu.memref_slice %arg17[%add3A_40, %dma_wait3A_271] : memref<10112x128xf32, #tpu.memory_space<vmem_shared>> -> memref<80x128xf32, #tpu.memory_space<vmem_shared>>
      %dma_wait3A_273 = arith.constant 0 : i32
      %dma_wait3A_274 = tpu.memref_slice %arg17[%add3A_40, %dma_wait3A_273] : memref<10112x128xf32, #tpu.memory_space<vmem_shared>> -> memref<80x128xf32, #tpu.memory_space<vmem_shared>>
      tpu.wait_dma2 semaphore(%run_scoped3A : memref<!tpu.dma_semaphore, #tpu.memory_space<semaphore_mem>>) src(%arg14 : memref<80x128xf32, #tpu.memory_space<vmem>>) dst(%dma_wait3A_274 : memref<80x128xf32, #tpu.memory_space<vmem_shared>>)
      tpu.yield
    }) : () -> ()
    %add3A_41 = arith.constant 80 : i32
    %add3A_42 = arith.addi %mul3A_38, %add3A_41 : i32
    "tpu.region"() ({
      %run_scoped3A = tpu.sem_alloc : memref<!tpu.dma_semaphore, #tpu.memory_space<semaphore_mem>>
      %dma_start3A_267 = arith.constant 0 : i32
      %dma_start3A_268 = tpu.memref_slice %arg17[%add3A_42, %dma_start3A_267] : memref<10112x128xf32, #tpu.memory_space<vmem_shared>> -> memref<80x128xf32, #tpu.memory_space<vmem_shared>>
      %dma_start3A_269 = arith.constant 0 : i32
      %dma_start3A_270 = tpu.memref_slice %arg17[%add3A_42, %dma_start3A_269] : memref<10112x128xf32, #tpu.memory_space<vmem_shared>> -> memref<80x128xf32, #tpu.memory_space<vmem_shared>>
      tpu.enqueue_dma source(%arg14 : memref<80x128xf32, #tpu.memory_space<vmem>>) target(%dma_start3A_270 : memref<80x128xf32, #tpu.memory_space<vmem_shared>>) target_semaphore(%run_scoped3A : memref<!tpu.dma_semaphore, #tpu.memory_space<semaphore_mem>>)
      %dma_wait3A_271 = arith.constant 0 : i32
      %dma_wait3A_272 = tpu.memref_slice %arg17[%add3A_42, %dma_wait3A_271] : memref<10112x128xf32, #tpu.memory_space<vmem_shared>> -> memref<80x128xf32, #tpu.memory_space<vmem_shared>>
      %dma_wait3A_273 = arith.constant 0 : i32
      %dma_wait3A_274 = tpu.memref_slice %arg17[%add3A_42, %dma_wait3A_273] : memref<10112x128xf32, #tpu.memory_space<vmem_shared>> -> memref<80x128xf32, #tpu.memory_space<vmem_shared>>
      tpu.wait_dma2 semaphore(%run_scoped3A : memref<!tpu.dma_semaphore, #tpu.memory_space<semaphore_mem>>) src(%arg14 : memref<80x128xf32, #tpu.memory_space<vmem>>) dst(%dma_wait3A_274 : memref<80x128xf32, #tpu.memory_space<vmem_shared>>)
      tpu.yield
    }) : () -> ()
    %add3A_43 = arith.constant 160 : i32
    %add3A_44 = arith.addi %mul3A_38, %add3A_43 : i32
    "tpu.region"() ({
      %run_scoped3A = tpu.sem_alloc : memref<!tpu.dma_semaphore, #tpu.memory_space<semaphore_mem>>
      %dma_start3A_267 = arith.constant 0 : i32
      %dma_start3A_268 = tpu.memref_slice %arg17[%add3A_44, %dma_start3A_267] : memref<10112x128xf32, #tpu.memory_space<vmem_shared>> -> memref<80x128xf32, #tpu.memory_space<vmem_shared>>
      %dma_start3A_269 = arith.constant 0 : i32
      %dma_start3A_270 = tpu.memref_slice %arg17[%add3A_44, %dma_start3A_269] : memref<10112x128xf32, #tpu.memory_space<vmem_shared>> -> memref<80x128xf32, #tpu.memory_space<vmem_shared>>
      tpu.enqueue_dma source(%arg14 : memref<80x128xf32, #tpu.memory_space<vmem>>) target(%dma_start3A_270 : memref<80x128xf32, #tpu.memory_space<vmem_shared>>) target_semaphore(%run_scoped3A : memref<!tpu.dma_semaphore, #tpu.memory_space<semaphore_mem>>)
      %dma_wait3A_271 = arith.constant 0 : i32
      %dma_wait3A_272 = tpu.memref_slice %arg17[%add3A_44, %dma_wait3A_271] : memref<10112x128xf32, #tpu.memory_space<vmem_shared>> -> memref<80x128xf32, #tpu.memory_space<vmem_shared>>
      %dma_wait3A_273 = arith.constant 0 : i32
      %dma_wait3A_274 = tpu.memref_slice %arg17[%add3A_44, %dma_wait3A_273] : memref<10112x128xf32, #tpu.memory_space<vmem_shared>> -> memref<80x128xf32, #tpu.memory_space<vmem_shared>>
      tpu.wait_dma2 semaphore(%run_scoped3A : memref<!tpu.dma_semaphore, #tpu.memory_space<semaphore_mem>>) src(%arg14 : memref<80x128xf32, #tpu.memory_space<vmem>>) dst(%dma_wait3A_274 : memref<80x128xf32, #tpu.memory_space<vmem_shared>>)
      tpu.yield
    }) : () -> ()
    %add3A_45 = arith.constant 240 : i32
    %add3A_46 = arith.addi %mul3A_38, %add3A_45 : i32
    "tpu.region"() ({
      %run_scoped3A = tpu.sem_alloc : memref<!tpu.dma_semaphore, #tpu.memory_space<semaphore_mem>>
      %dma_start3A_267 = arith.constant 0 : i32
      %dma_start3A_268 = tpu.memref_slice %arg17[%add3A_46, %dma_start3A_267] : memref<10112x128xf32, #tpu.memory_space<vmem_shared>> -> memref<80x128xf32, #tpu.memory_space<vmem_shared>>
      %dma_start3A_269 = arith.constant 0 : i32
      %dma_start3A_270 = tpu.memref_slice %arg17[%add3A_46, %dma_start3A_269] : memref<10112x128xf32, #tpu.memory_space<vmem_shared>> -> memref<80x128xf32, #tpu.memory_space<vmem_shared>>
      tpu.enqueue_dma source(%arg14 : memref<80x128xf32, #tpu.memory_space<vmem>>) target(%dma_start3A_270 : memref<80x128xf32, #tpu.memory_space<vmem_shared>>) target_semaphore(%run_scoped3A : memref<!tpu.dma_semaphore, #tpu.memory_space<semaphore_mem>>)
      %dma_wait3A_271 = arith.constant 0 : i32
      %dma_wait3A_272 = tpu.memref_slice %arg17[%add3A_46, %dma_wait3A_271] : memref<10112x128xf32, #tpu.memory_space<vmem_shared>> -> memref<80x128xf32, #tpu.memory_space<vmem_shared>>
      %dma_wait3A_273 = arith.constant 0 : i32
      %dma_wait3A_274 = tpu.memref_slice %arg17[%add3A_46, %dma_wait3A_273] : memref<10112x128xf32, #tpu.memory_space<vmem_shared>> -> memref<80x128xf32, #tpu.memory_space<vmem_shared>>
      tpu.wait_dma2 semaphore(%run_scoped3A : memref<!tpu.dma_semaphore, #tpu.memory_space<semaphore_mem>>) src(%arg14 : memref<80x128xf32, #tpu.memory_space<vmem>>) dst(%dma_wait3A_274 : memref<80x128xf32, #tpu.memory_space<vmem_shared>>)
      tpu.yield
    }) : () -> ()
    %add3A_47 = arith.constant 320 : i32
    %add3A_48 = arith.addi %mul3A_38, %add3A_47 : i32
    "tpu.region"() ({
      %run_scoped3A = tpu.sem_alloc : memref<!tpu.dma_semaphore, #tpu.memory_space<semaphore_mem>>
      %dma_start3A_267 = arith.constant 0 : i32
      %dma_start3A_268 = tpu.memref_slice %arg17[%add3A_48, %dma_start3A_267] : memref<10112x128xf32, #tpu.memory_space<vmem_shared>> -> memref<80x128xf32, #tpu.memory_space<vmem_shared>>
      %dma_start3A_269 = arith.constant 0 : i32
      %dma_start3A_270 = tpu.memref_slice %arg17[%add3A_48, %dma_start3A_269] : memref<10112x128xf32, #tpu.memory_space<vmem_shared>> -> memref<80x128xf32, #tpu.memory_space<vmem_shared>>
      tpu.enqueue_dma source(%arg14 : memref<80x128xf32, #tpu.memory_space<vmem>>) target(%dma_start3A_270 : memref<80x128xf32, #tpu.memory_space<vmem_shared>>) target_semaphore(%run_scoped3A : memref<!tpu.dma_semaphore, #tpu.memory_space<semaphore_mem>>)
      %dma_wait3A_271 = arith.constant 0 : i32
      %dma_wait3A_272 = tpu.memref_slice %arg17[%add3A_48, %dma_wait3A_271] : memref<10112x128xf32, #tpu.memory_space<vmem_shared>> -> memref<80x128xf32, #tpu.memory_space<vmem_shared>>
      %dma_wait3A_273 = arith.constant 0 : i32
      %dma_wait3A_274 = tpu.memref_slice %arg17[%add3A_48, %dma_wait3A_273] : memref<10112x128xf32, #tpu.memory_space<vmem_shared>> -> memref<80x128xf32, #tpu.memory_space<vmem_shared>>
      tpu.wait_dma2 semaphore(%run_scoped3A : memref<!tpu.dma_semaphore, #tpu.memory_space<semaphore_mem>>) src(%arg14 : memref<80x128xf32, #tpu.memory_space<vmem>>) dst(%dma_wait3A_274 : memref<80x128xf32, #tpu.memory_space<vmem_shared>>)
      tpu.yield
    }) : () -> ()
    %add3A_49 = arith.constant 400 : i32
    %add3A_50 = arith.addi %mul3A_38, %add3A_49 : i32
    "tpu.region"() ({
      %run_scoped3A = tpu.sem_alloc : memref<!tpu.dma_semaphore, #tpu.memory_space<semaphore_mem>>
      %dma_start3A_267 = arith.constant 0 : i32
      %dma_start3A_268 = tpu.memref_slice %arg17[%add3A_50, %dma_start3A_267] : memref<10112x128xf32, #tpu.memory_space<vmem_shared>> -> memref<80x128xf32, #tpu.memory_space<vmem_shared>>
      %dma_start3A_269 = arith.constant 0 : i32
      %dma_start3A_270 = tpu.memref_slice %arg17[%add3A_50, %dma_start3A_269] : memref<10112x128xf32, #tpu.memory_space<vmem_shared>> -> memref<80x128xf32, #tpu.memory_space<vmem_shared>>
      tpu.enqueue_dma source(%arg14 : memref<80x128xf32, #tpu.memory_space<vmem>>) target(%dma_start3A_270 : memref<80x128xf32, #tpu.memory_space<vmem_shared>>) target_semaphore(%run_scoped3A : memref<!tpu.dma_semaphore, #tpu.memory_space<semaphore_mem>>)
      %dma_wait3A_271 = arith.constant 0 : i32
      %dma_wait3A_272 = tpu.memref_slice %arg17[%add3A_50, %dma_wait3A_271] : memref<10112x128xf32, #tpu.memory_space<vmem_shared>> -> memref<80x128xf32, #tpu.memory_space<vmem_shared>>
      %dma_wait3A_273 = arith.constant 0 : i32
      %dma_wait3A_274 = tpu.memref_slice %arg17[%add3A_50, %dma_wait3A_273] : memref<10112x128xf32, #tpu.memory_space<vmem_shared>> -> memref<80x128xf32, #tpu.memory_space<vmem_shared>>
      tpu.wait_dma2 semaphore(%run_scoped3A : memref<!tpu.dma_semaphore, #tpu.memory_space<semaphore_mem>>) src(%arg14 : memref<80x128xf32, #tpu.memory_space<vmem>>) dst(%dma_wait3A_274 : memref<80x128xf32, #tpu.memory_space<vmem_shared>>)
      tpu.yield
    }) : () -> ()
    %add3A_51 = arith.constant 480 : i32
    %add3A_52 = arith.addi %mul3A_38, %add3A_51 : i32
    "tpu.region"() ({
      %run_scoped3A = tpu.sem_alloc : memref<!tpu.dma_semaphore, #tpu.memory_space<semaphore_mem>>
      %dma_start3A_267 = arith.constant 0 : i32
      %dma_start3A_268 = tpu.memref_slice %arg17[%add3A_52, %dma_start3A_267] : memref<10112x128xf32, #tpu.memory_space<vmem_shared>> -> memref<80x128xf32, #tpu.memory_space<vmem_shared>>
      %dma_start3A_269 = arith.constant 0 : i32
      %dma_start3A_270 = tpu.memref_slice %arg17[%add3A_52, %dma_start3A_269] : memref<10112x128xf32, #tpu.memory_space<vmem_shared>> -> memref<80x128xf32, #tpu.memory_space<vmem_shared>>
      tpu.enqueue_dma source(%arg14 : memref<80x128xf32, #tpu.memory_space<vmem>>) target(%dma_start3A_270 : memref<80x128xf32, #tpu.memory_space<vmem_shared>>) target_semaphore(%run_scoped3A : memref<!tpu.dma_semaphore, #tpu.memory_space<semaphore_mem>>)
      %dma_wait3A_271 = arith.constant 0 : i32
      %dma_wait3A_272 = tpu.memref_slice %arg17[%add3A_52, %dma_wait3A_271] : memref<10112x128xf32, #tpu.memory_space<vmem_shared>> -> memref<80x128xf32, #tpu.memory_space<vmem_shared>>
      %dma_wait3A_273 = arith.constant 0 : i32
      %dma_wait3A_274 = tpu.memref_slice %arg17[%add3A_52, %dma_wait3A_273] : memref<10112x128xf32, #tpu.memory_space<vmem_shared>> -> memref<80x128xf32, #tpu.memory_space<vmem_shared>>
      tpu.wait_dma2 semaphore(%run_scoped3A : memref<!tpu.dma_semaphore, #tpu.memory_space<semaphore_mem>>) src(%arg14 : memref<80x128xf32, #tpu.memory_space<vmem>>) dst(%dma_wait3A_274 : memref<80x128xf32, #tpu.memory_space<vmem_shared>>)
      tpu.yield
    }) : () -> ()
    %add3A_53 = arith.constant 560 : i32
    %add3A_54 = arith.addi %mul3A_38, %add3A_53 : i32
    "tpu.region"() ({
      %run_scoped3A = tpu.sem_alloc : memref<!tpu.dma_semaphore, #tpu.memory_space<semaphore_mem>>
      %dma_start3A_267 = arith.constant 0 : i32
      %dma_start3A_268 = arith.constant 0 : i32
      %dma_start3A_269 = tpu.memref_slice %arg14[%dma_start3A_267, %dma_start3A_268] : memref<80x128xf32, #tpu.memory_space<vmem>> -> memref<72x128xf32, #tpu.memory_space<vmem>>
      %dma_start3A_270 = arith.constant 0 : i32
      %dma_start3A_271 = tpu.memref_slice %arg17[%add3A_54, %dma_start3A_270] : memref<10112x128xf32, #tpu.memory_space<vmem_shared>> -> memref<72x128xf32, #tpu.memory_space<vmem_shared>>
      %dma_start3A_272 = arith.constant 0 : i32
      %dma_start3A_273 = tpu.memref_slice %arg17[%add3A_54, %dma_start3A_272] : memref<10112x128xf32, #tpu.memory_space<vmem_shared>> -> memref<72x128xf32, #tpu.memory_space<vmem_shared>>
      %dma_start3A_274 = arith.constant 0 : i32
      %dma_start3A_275 = arith.constant 0 : i32
      %dma_start3A_276 = tpu.memref_slice %arg14[%dma_start3A_274, %dma_start3A_275] : memref<80x128xf32, #tpu.memory_space<vmem>> -> memref<72x128xf32, #tpu.memory_space<vmem>>
      tpu.enqueue_dma source(%dma_start3A_276 : memref<72x128xf32, #tpu.memory_space<vmem>>) target(%dma_start3A_273 : memref<72x128xf32, #tpu.memory_space<vmem_shared>>) target_semaphore(%run_scoped3A : memref<!tpu.dma_semaphore, #tpu.memory_space<semaphore_mem>>)
      %dma_wait3A_277 = arith.constant 0 : i32
      %dma_wait3A_278 = arith.constant 0 : i32
      %dma_wait3A_279 = tpu.memref_slice %arg14[%dma_wait3A_277, %dma_wait3A_278] : memref<80x128xf32, #tpu.memory_space<vmem>> -> memref<72x128xf32, #tpu.memory_space<vmem>>
      %dma_wait3A_280 = arith.constant 0 : i32
      %dma_wait3A_281 = tpu.memref_slice %arg17[%add3A_54, %dma_wait3A_280] : memref<10112x128xf32, #tpu.memory_space<vmem_shared>> -> memref<72x128xf32, #tpu.memory_space<vmem_shared>>
      %dma_wait3A_282 = arith.constant 0 : i32
      %dma_wait3A_283 = tpu.memref_slice %arg17[%add3A_54, %dma_wait3A_282] : memref<10112x128xf32, #tpu.memory_space<vmem_shared>> -> memref<72x128xf32, #tpu.memory_space<vmem_shared>>
      %dma_wait3A_284 = arith.constant 0 : i32
      %dma_wait3A_285 = arith.constant 0 : i32
      %dma_wait3A_286 = tpu.memref_slice %arg14[%dma_wait3A_284, %dma_wait3A_285] : memref<80x128xf32, #tpu.memory_space<vmem>> -> memref<72x128xf32, #tpu.memory_space<vmem>>
      tpu.wait_dma2 semaphore(%run_scoped3A : memref<!tpu.dma_semaphore, #tpu.memory_space<semaphore_mem>>) src(%dma_wait3A_286 : memref<72x128xf32, #tpu.memory_space<vmem>>) dst(%dma_wait3A_283 : memref<72x128xf32, #tpu.memory_space<vmem_shared>>)
      tpu.yield
    }) : () -> ()
    %scan3A_55 = arith.constant 0 : i32
    %scan3A_56 = arith.constant 0 : i32
    %scan3A_57 = arith.constant 80 : i32
    %scan3A_58 = arith.addi %scan3A_56, %scan3A_57 : i32
    %scan3A_59 = arith.constant 1 : i32
    scf.for %scan3A_267 = %scan3A_56 to %scan3A_58 step %scan3A_59  : i32 {
      %mul3A_268 = arith.constant 16 : i32
      %mul3A_269 = arith.muli %scan3A_267, %mul3A_268 : i32
      %swap3A_270 = arith.index_cast %mul3A_269 : i32 to index
      %swap3A_271 = tpu.vector_load %arg16[%swap3A_270] {strides = array<i32>} : memref<1280xf32, #tpu.memory_space<vmem>>, vector<16xf32>,
      %swap3A_272 = vector.shape_cast %swap3A_271 : vector<16xf32> to vector<16xf32>
      %swap3A_273 = vector.shape_cast %broadcast_in_dim3A_12 : vector<16xf32> to vector<16xf32>
      tpu.vector_store %arg16[%swap3A_270], %swap3A_273 {strides = array<i32>} : memref<1280xf32, #tpu.memory_space<vmem>>, vector<16xf32>,
    }
    %scan3A_60 = arith.constant 80 : i32
    %add3A_61 = arith.constant 0 : i32
    %add3A_62 = arith.addi %mul3A_2, %add3A_61 : i32
    "tpu.region"() ({
      %run_scoped3A = tpu.sem_alloc : memref<!tpu.dma_semaphore, #tpu.memory_space<semaphore_mem>>
      %dma_start3A_267 = tpu.memref_slice %arg18[%add3A_62] : memref<160000xf32, #tpu.memory_space<vmem_shared>> -> memref<1280xf32, #tpu.memory_space<vmem_shared>>
      %dma_start3A_268 = tpu.memref_slice %arg18[%add3A_62] : memref<160000xf32, #tpu.memory_space<vmem_shared>> -> memref<1280xf32, #tpu.memory_space<vmem_shared>>
      tpu.enqueue_dma source(%arg16 : memref<1280xf32, #tpu.memory_space<vmem>>) target(%dma_start3A_268 : memref<1280xf32, #tpu.memory_space<vmem_shared>>) target_semaphore(%run_scoped3A : memref<!tpu.dma_semaphore, #tpu.memory_space<semaphore_mem>>)
      %dma_wait3A_269 = tpu.memref_slice %arg18[%add3A_62] : memref<160000xf32, #tpu.memory_space<vmem_shared>> -> memref<1280xf32, #tpu.memory_space<vmem_shared>>
      %dma_wait3A_270 = tpu.memref_slice %arg18[%add3A_62] : memref<160000xf32, #tpu.memory_space<vmem_shared>> -> memref<1280xf32, #tpu.memory_space<vmem_shared>>
      tpu.wait_dma2 semaphore(%run_scoped3A : memref<!tpu.dma_semaphore, #tpu.memory_space<semaphore_mem>>) src(%arg16 : memref<1280xf32, #tpu.memory_space<vmem>>) dst(%dma_wait3A_270 : memref<1280xf32, #tpu.memory_space<vmem_shared>>)
      tpu.yield
    }) : () -> ()
    %add3A_63 = arith.constant 1280 : i32
    %add3A_64 = arith.addi %mul3A_2, %add3A_63 : i32
    "tpu.region"() ({
      %run_scoped3A = tpu.sem_alloc : memref<!tpu.dma_semaphore, #tpu.memory_space<semaphore_mem>>
      %dma_start3A_267 = tpu.memref_slice %arg18[%add3A_64] : memref<160000xf32, #tpu.memory_space<vmem_shared>> -> memref<1280xf32, #tpu.memory_space<vmem_shared>>
      %dma_start3A_268 = tpu.memref_slice %arg18[%add3A_64] : memref<160000xf32, #tpu.memory_space<vmem_shared>> -> memref<1280xf32, #tpu.memory_space<vmem_shared>>
      tpu.enqueue_dma source(%arg16 : memref<1280xf32, #tpu.memory_space<vmem>>) target(%dma_start3A_268 : memref<1280xf32, #tpu.memory_space<vmem_shared>>) target_semaphore(%run_scoped3A : memref<!tpu.dma_semaphore, #tpu.memory_space<semaphore_mem>>)
      %dma_wait3A_269 = tpu.memref_slice %arg18[%add3A_64] : memref<160000xf32, #tpu.memory_space<vmem_shared>> -> memref<1280xf32, #tpu.memory_space<vmem_shared>>
      %dma_wait3A_270 = tpu.memref_slice %arg18[%add3A_64] : memref<160000xf32, #tpu.memory_space<vmem_shared>> -> memref<1280xf32, #tpu.memory_space<vmem_shared>>
      tpu.wait_dma2 semaphore(%run_scoped3A : memref<!tpu.dma_semaphore, #tpu.memory_space<semaphore_mem>>) src(%arg16 : memref<1280xf32, #tpu.memory_space<vmem>>) dst(%dma_wait3A_270 : memref<1280xf32, #tpu.memory_space<vmem_shared>>)
      tpu.yield
    }) : () -> ()
    %add3A_65 = arith.constant 2560 : i32
    %add3A_66 = arith.addi %mul3A_2, %add3A_65 : i32
    "tpu.region"() ({
      %run_scoped3A = tpu.sem_alloc : memref<!tpu.dma_semaphore, #tpu.memory_space<semaphore_mem>>
      %dma_start3A_267 = tpu.memref_slice %arg18[%add3A_66] : memref<160000xf32, #tpu.memory_space<vmem_shared>> -> memref<1280xf32, #tpu.memory_space<vmem_shared>>
      %dma_start3A_268 = tpu.memref_slice %arg18[%add3A_66] : memref<160000xf32, #tpu.memory_space<vmem_shared>> -> memref<1280xf32, #tpu.memory_space<vmem_shared>>
      tpu.enqueue_dma source(%arg16 : memref<1280xf32, #tpu.memory_space<vmem>>) target(%dma_start3A_268 : memref<1280xf32, #tpu.memory_space<vmem_shared>>) target_semaphore(%run_scoped3A : memref<!tpu.dma_semaphore, #tpu.memory_space<semaphore_mem>>)
      %dma_wait3A_269 = tpu.memref_slice %arg18[%add3A_66] : memref<160000xf32, #tpu.memory_space<vmem_shared>> -> memref<1280xf32, #tpu.memory_space<vmem_shared>>
      %dma_wait3A_270 = tpu.memref_slice %arg18[%add3A_66] : memref<160000xf32, #tpu.memory_space<vmem_shared>> -> memref<1280xf32, #tpu.memory_space<vmem_shared>>
      tpu.wait_dma2 semaphore(%run_scoped3A : memref<!tpu.dma_semaphore, #tpu.memory_space<semaphore_mem>>) src(%arg16 : memref<1280xf32, #tpu.memory_space<vmem>>) dst(%dma_wait3A_270 : memref<1280xf32, #tpu.memory_space<vmem_shared>>)
      tpu.yield
    }) : () -> ()
    %add3A_67 = arith.constant 3840 : i32
    %add3A_68 = arith.addi %mul3A_2, %add3A_67 : i32
    "tpu.region"() ({
      %run_scoped3A = tpu.sem_alloc : memref<!tpu.dma_semaphore, #tpu.memory_space<semaphore_mem>>
      %dma_start3A_267 = tpu.memref_slice %arg18[%add3A_68] : memref<160000xf32, #tpu.memory_space<vmem_shared>> -> memref<1280xf32, #tpu.memory_space<vmem_shared>>
      %dma_start3A_268 = tpu.memref_slice %arg18[%add3A_68] : memref<160000xf32, #tpu.memory_space<vmem_shared>> -> memref<1280xf32, #tpu.memory_space<vmem_shared>>
      tpu.enqueue_dma source(%arg16 : memref<1280xf32, #tpu.memory_space<vmem>>) target(%dma_start3A_268 : memref<1280xf32, #tpu.memory_space<vmem_shared>>) target_semaphore(%run_scoped3A : memref<!tpu.dma_semaphore, #tpu.memory_space<semaphore_mem>>)
      %dma_wait3A_269 = tpu.memref_slice %arg18[%add3A_68] : memref<160000xf32, #tpu.memory_space<vmem_shared>> -> memref<1280xf32, #tpu.memory_space<vmem_shared>>
      %dma_wait3A_270 = tpu.memref_slice %arg18[%add3A_68] : memref<160000xf32, #tpu.memory_space<vmem_shared>> -> memref<1280xf32, #tpu.memory_space<vmem_shared>>
      tpu.wait_dma2 semaphore(%run_scoped3A : memref<!tpu.dma_semaphore, #tpu.memory_space<semaphore_mem>>) src(%arg16 : memref<1280xf32, #tpu.memory_space<vmem>>) dst(%dma_wait3A_270 : memref<1280xf32, #tpu.memory_space<vmem_shared>>)
      tpu.yield
    }) : () -> ()
    %add3A_69 = arith.constant 5120 : i32
    %add3A_70 = arith.addi %mul3A_2, %add3A_69 : i32
    "tpu.region"() ({
      %run_scoped3A = tpu.sem_alloc : memref<!tpu.dma_semaphore, #tpu.memory_space<semaphore_mem>>
      %dma_start3A_267 = tpu.memref_slice %arg18[%add3A_70] : memref<160000xf32, #tpu.memory_space<vmem_shared>> -> memref<1280xf32, #tpu.memory_space<vmem_shared>>
      %dma_start3A_268 = tpu.memref_slice %arg18[%add3A_70] : memref<160000xf32, #tpu.memory_space<vmem_shared>> -> memref<1280xf32, #tpu.memory_space<vmem_shared>>
      tpu.enqueue_dma source(%arg16 : memref<1280xf32, #tpu.memory_space<vmem>>) target(%dma_start3A_268 : memref<1280xf32, #tpu.memory_space<vmem_shared>>) target_semaphore(%run_scoped3A : memref<!tpu.dma_semaphore, #tpu.memory_space<semaphore_mem>>)
      %dma_wait3A_269 = tpu.memref_slice %arg18[%add3A_70] : memref<160000xf32, #tpu.memory_space<vmem_shared>> -> memref<1280xf32, #tpu.memory_space<vmem_shared>>
      %dma_wait3A_270 = tpu.memref_slice %arg18[%add3A_70] : memref<160000xf32, #tpu.memory_space<vmem_shared>> -> memref<1280xf32, #tpu.memory_space<vmem_shared>>
      tpu.wait_dma2 semaphore(%run_scoped3A : memref<!tpu.dma_semaphore, #tpu.memory_space<semaphore_mem>>) src(%arg16 : memref<1280xf32, #tpu.memory_space<vmem>>) dst(%dma_wait3A_270 : memref<1280xf32, #tpu.memory_space<vmem_shared>>)
      tpu.yield
    }) : () -> ()
    %add3A_71 = arith.constant 6400 : i32
    %add3A_72 = arith.addi %mul3A_2, %add3A_71 : i32
    "tpu.region"() ({
      %run_scoped3A = tpu.sem_alloc : memref<!tpu.dma_semaphore, #tpu.memory_space<semaphore_mem>>
      %dma_start3A_267 = tpu.memref_slice %arg18[%add3A_72] : memref<160000xf32, #tpu.memory_space<vmem_shared>> -> memref<1280xf32, #tpu.memory_space<vmem_shared>>
      %dma_start3A_268 = tpu.memref_slice %arg18[%add3A_72] : memref<160000xf32, #tpu.memory_space<vmem_shared>> -> memref<1280xf32, #tpu.memory_space<vmem_shared>>
      tpu.enqueue_dma source(%arg16 : memref<1280xf32, #tpu.memory_space<vmem>>) target(%dma_start3A_268 : memref<1280xf32, #tpu.memory_space<vmem_shared>>) target_semaphore(%run_scoped3A : memref<!tpu.dma_semaphore, #tpu.memory_space<semaphore_mem>>)
      %dma_wait3A_269 = tpu.memref_slice %arg18[%add3A_72] : memref<160000xf32, #tpu.memory_space<vmem_shared>> -> memref<1280xf32, #tpu.memory_space<vmem_shared>>
      %dma_wait3A_270 = tpu.memref_slice %arg18[%add3A_72] : memref<160000xf32, #tpu.memory_space<vmem_shared>> -> memref<1280xf32, #tpu.memory_space<vmem_shared>>
      tpu.wait_dma2 semaphore(%run_scoped3A : memref<!tpu.dma_semaphore, #tpu.memory_space<semaphore_mem>>) src(%arg16 : memref<1280xf32, #tpu.memory_space<vmem>>) dst(%dma_wait3A_270 : memref<1280xf32, #tpu.memory_space<vmem_shared>>)
      tpu.yield
    }) : () -> ()
    %add3A_73 = arith.constant 7680 : i32
    %add3A_74 = arith.addi %mul3A_2, %add3A_73 : i32
    "tpu.region"() ({
      %run_scoped3A = tpu.sem_alloc : memref<!tpu.dma_semaphore, #tpu.memory_space<semaphore_mem>>
      %dma_start3A_267 = tpu.memref_slice %arg18[%add3A_74] : memref<160000xf32, #tpu.memory_space<vmem_shared>> -> memref<1280xf32, #tpu.memory_space<vmem_shared>>
      %dma_start3A_268 = tpu.memref_slice %arg18[%add3A_74] : memref<160000xf32, #tpu.memory_space<vmem_shared>> -> memref<1280xf32, #tpu.memory_space<vmem_shared>>
      tpu.enqueue_dma source(%arg16 : memref<1280xf32, #tpu.memory_space<vmem>>) target(%dma_start3A_268 : memref<1280xf32, #tpu.memory_space<vmem_shared>>) target_semaphore(%run_scoped3A : memref<!tpu.dma_semaphore, #tpu.memory_space<semaphore_mem>>)
      %dma_wait3A_269 = tpu.memref_slice %arg18[%add3A_74] : memref<160000xf32, #tpu.memory_space<vmem_shared>> -> memref<1280xf32, #tpu.memory_space<vmem_shared>>
      %dma_wait3A_270 = tpu.memref_slice %arg18[%add3A_74] : memref<160000xf32, #tpu.memory_space<vmem_shared>> -> memref<1280xf32, #tpu.memory_space<vmem_shared>>
      tpu.wait_dma2 semaphore(%run_scoped3A : memref<!tpu.dma_semaphore, #tpu.memory_space<semaphore_mem>>) src(%arg16 : memref<1280xf32, #tpu.memory_space<vmem>>) dst(%dma_wait3A_270 : memref<1280xf32, #tpu.memory_space<vmem_shared>>)
      tpu.yield
    }) : () -> ()
    %add3A_75 = arith.constant 8960 : i32
    %add3A_76 = arith.addi %mul3A_2, %add3A_75 : i32
    "tpu.region"() ({
      %run_scoped3A = tpu.sem_alloc : memref<!tpu.dma_semaphore, #tpu.memory_space<semaphore_mem>>
      %dma_start3A_267 = arith.constant 0 : i32
      %dma_start3A_268 = tpu.memref_slice %arg16[%dma_start3A_267] : memref<1280xf32, #tpu.memory_space<vmem>> -> memref<1040xf32, #tpu.memory_space<vmem>>
      %dma_start3A_269 = tpu.memref_slice %arg18[%add3A_76] : memref<160000xf32, #tpu.memory_space<vmem_shared>> -> memref<1040xf32, #tpu.memory_space<vmem_shared>>
      %dma_start3A_270 = tpu.memref_slice %arg18[%add3A_76] : memref<160000xf32, #tpu.memory_space<vmem_shared>> -> memref<1040xf32, #tpu.memory_space<vmem_shared>>
      %dma_start3A_271 = arith.constant 0 : i32
      %dma_start3A_272 = tpu.memref_slice %arg16[%dma_start3A_271] : memref<1280xf32, #tpu.memory_space<vmem>> -> memref<1040xf32, #tpu.memory_space<vmem>>
      tpu.enqueue_dma source(%dma_start3A_272 : memref<1040xf32, #tpu.memory_space<vmem>>) target(%dma_start3A_270 : memref<1040xf32, #tpu.memory_space<vmem_shared>>) target_semaphore(%run_scoped3A : memref<!tpu.dma_semaphore, #tpu.memory_space<semaphore_mem>>)
      %dma_wait3A_273 = arith.constant 0 : i32
      %dma_wait3A_274 = tpu.memref_slice %arg16[%dma_wait3A_273] : memref<1280xf32, #tpu.memory_space<vmem>> -> memref<1040xf32, #tpu.memory_space<vmem>>
      %dma_wait3A_275 = tpu.memref_slice %arg18[%add3A_76] : memref<160000xf32, #tpu.memory_space<vmem_shared>> -> memref<1040xf32, #tpu.memory_space<vmem_shared>>
      %dma_wait3A_276 = tpu.memref_slice %arg18[%add3A_76] : memref<160000xf32, #tpu.memory_space<vmem_shared>> -> memref<1040xf32, #tpu.memory_space<vmem_shared>>
      %dma_wait3A_277 = arith.constant 0 : i32
      %dma_wait3A_278 = tpu.memref_slice %arg16[%dma_wait3A_277] : memref<1280xf32, #tpu.memory_space<vmem>> -> memref<1040xf32, #tpu.memory_space<vmem>>
      tpu.wait_dma2 semaphore(%run_scoped3A : memref<!tpu.dma_semaphore, #tpu.memory_space<semaphore_mem>>) src(%dma_wait3A_278 : memref<1040xf32, #tpu.memory_space<vmem>>) dst(%dma_wait3A_276 : memref<1040xf32, #tpu.memory_space<vmem_shared>>)
      tpu.yield
    }) : () -> ()
    %dma_wait3A = arith.constant 0 : i32
    %dma_wait3A_77 = arith.constant 0 : i32
    %dma_wait3A_78 = tpu.memref_slice %arg3[%add3A, %dma_wait3A, %dma_wait3A_77] : memref<32x125x80xi32, #tpu.memory_space<hbm>> -> memref<1x125x80xi32, #tpu.memory_space<hbm>>
    %dma_wait3A_79 = tpu.memref_squeeze %dma_wait3A_78 : memref<1x125x80xi32, #tpu.memory_space<hbm>> -> memref<125x80xi32, #tpu.memory_space<hbm>>
    %dma_wait3A_80 = arith.constant 0 : i32
    %dma_wait3A_81 = arith.constant 0 : i32
    %dma_wait3A_82 = tpu.memref_slice %arg3[%add3A, %dma_wait3A_80, %dma_wait3A_81] : memref<32x125x80xi32, #tpu.memory_space<hbm>> -> memref<1x125x80xi32, #tpu.memory_space<hbm>>
    %dma_wait3A_83 = tpu.memref_squeeze %dma_wait3A_82 : memref<1x125x80xi32, #tpu.memory_space<hbm>> -> memref<125x80xi32, #tpu.memory_space<hbm>>
    tpu.wait_dma2 semaphore(%arg19 : memref<!tpu.dma_semaphore, #tpu.memory_space<semaphore_mem>>) src(%dma_wait3A_83 : memref<125x80xi32, #tpu.memory_space<hbm>>) dst(%arg6 : memref<125x80xi32, #tpu.memory_space<vmem>>)
    %get3A = arith.constant 0 : i32
    %get3A_84 = arith.index_cast %get3A : i32 to index
    %get3A_85 = arith.constant 0 : index
    %get3A_86 = tpu.vector_load %arg6[%get3A_84, %get3A_85] {strides = array<i32>} : memref<125x80xi32, #tpu.memory_space<vmem>>, vector<1x16xi32>,
    %get3A_87 = vector.shape_cast %get3A_86 : vector<1x16xi32> to vector<16xi32>
    %and3A = arith.constant 65535 : i32
    %and3A_88 = vector.broadcast %and3A : i32 to vector<16xi32>
    %and3A_89 = arith.andi %get3A_87, %and3A_88 : vector<16xi32>
    %shift_right_logical3A = arith.constant 16 : i32
    %shift_right_logical3A_90 = vector.broadcast %shift_right_logical3A : i32 to vector<16xi32>
    %shift_right_logical3A_91 = arith.shrui %get3A_87, %shift_right_logical3A_90 : vector<16xi32>
    %swap3A_92 = arith.constant 0 : index
    %swap3A_93 = tpu.vector_load %arg7[%swap3A_92] {strides = array<i32>} : memref<80xi32, #tpu.memory_space<vmem>>, vector<16xi32>,
    %swap3A_94 = vector.shape_cast %swap3A_93 : vector<16xi32> to vector<16xi32>
    %swap3A_95 = vector.shape_cast %and3A_89 : vector<16xi32> to vector<16xi32>
    tpu.vector_store %arg7[%swap3A_92], %swap3A_95 {strides = array<i32>} : memref<80xi32, #tpu.memory_space<vmem>>, vector<16xi32>,
    %swap3A_96 = arith.constant 0 : index
    %swap3A_97 = tpu.vector_load %arg8[%swap3A_96] {strides = array<i32>} : memref<80xi32, #tpu.memory_space<vmem>>, vector<16xi32>,
    %swap3A_98 = vector.shape_cast %swap3A_97 : vector<16xi32> to vector<16xi32>
    %swap3A_99 = vector.shape_cast %shift_right_logical3A_91 : vector<16xi32> to vector<16xi32>
    tpu.vector_store %arg8[%swap3A_96], %swap3A_99 {strides = array<i32>} : memref<80xi32, #tpu.memory_space<vmem>>, vector<16xi32>,
    %add3A_100 = vector.broadcast %mul3A_2 : i32 to vector<16xi32>
    %add3A_101 = arith.addi %shift_right_logical3A_91, %add3A_100 : vector<16xi32>
    %swap3A_102 = arith.constant 0 : index
    %swap3A_103 = tpu.vector_load %arg9[%swap3A_102] {strides = array<i32>} : memref<80xi32, #tpu.memory_space<vmem>>, vector<16xi32>,
    %swap3A_104 = vector.shape_cast %swap3A_103 : vector<16xi32> to vector<16xi32>
    %swap3A_105 = vector.shape_cast %add3A_101 : vector<16xi32> to vector<16xi32>
    tpu.vector_store %arg9[%swap3A_102], %swap3A_105 {strides = array<i32>} : memref<80xi32, #tpu.memory_space<vmem>>, vector<16xi32>,
    %get3A_106 = arith.constant 0 : i32
    %get3A_107 = arith.index_cast %get3A_106 : i32 to index
    %get3A_108 = arith.constant 16 : index
    %get3A_109 = tpu.vector_load %arg6[%get3A_107, %get3A_108] {strides = array<i32>} : memref<125x80xi32, #tpu.memory_space<vmem>>, vector<1x16xi32>,
    %get3A_110 = vector.shape_cast %get3A_109 : vector<1x16xi32> to vector<16xi32>
    %and3A_111 = arith.constant 65535 : i32
    %and3A_112 = vector.broadcast %and3A_111 : i32 to vector<16xi32>
    %and3A_113 = arith.andi %get3A_110, %and3A_112 : vector<16xi32>
    %shift_right_logical3A_114 = arith.constant 16 : i32
    %shift_right_logical3A_115 = vector.broadcast %shift_right_logical3A_114 : i32 to vector<16xi32>
    %shift_right_logical3A_116 = arith.shrui %get3A_110, %shift_right_logical3A_115 : vector<16xi32>
    %swap3A_117 = arith.constant 16 : index
    %swap3A_118 = tpu.vector_load %arg7[%swap3A_117] {strides = array<i32>} : memref<80xi32, #tpu.memory_space<vmem>>, vector<16xi32>,
    %swap3A_119 = vector.shape_cast %swap3A_118 : vector<16xi32> to vector<16xi32>
    %swap3A_120 = vector.shape_cast %and3A_113 : vector<16xi32> to vector<16xi32>
    tpu.vector_store %arg7[%swap3A_117], %swap3A_120 {strides = array<i32>} : memref<80xi32, #tpu.memory_space<vmem>>, vector<16xi32>,
    %swap3A_121 = arith.constant 16 : index
    %swap3A_122 = tpu.vector_load %arg8[%swap3A_121] {strides = array<i32>} : memref<80xi32, #tpu.memory_space<vmem>>, vector<16xi32>,
    %swap3A_123 = vector.shape_cast %swap3A_122 : vector<16xi32> to vector<16xi32>
    %swap3A_124 = vector.shape_cast %shift_right_logical3A_116 : vector<16xi32> to vector<16xi32>
    tpu.vector_store %arg8[%swap3A_121], %swap3A_124 {strides = array<i32>} : memref<80xi32, #tpu.memory_space<vmem>>, vector<16xi32>,
    %add3A_125 = vector.broadcast %mul3A_2 : i32 to vector<16xi32>
    %add3A_126 = arith.addi %shift_right_logical3A_116, %add3A_125 : vector<16xi32>
    %swap3A_127 = arith.constant 16 : index
    %swap3A_128 = tpu.vector_load %arg9[%swap3A_127] {strides = array<i32>} : memref<80xi32, #tpu.memory_space<vmem>>, vector<16xi32>,
    %swap3A_129 = vector.shape_cast %swap3A_128 : vector<16xi32> to vector<16xi32>
    %swap3A_130 = vector.shape_cast %add3A_126 : vector<16xi32> to vector<16xi32>
    tpu.vector_store %arg9[%swap3A_127], %swap3A_130 {strides = array<i32>} : memref<80xi32, #tpu.memory_space<vmem>>, vector<16xi32>,
    %get3A_131 = arith.constant 0 : i32
    %get3A_132 = arith.index_cast %get3A_131 : i32 to index
    %get3A_133 = arith.constant 32 : index
    %get3A_134 = tpu.vector_load %arg6[%get3A_132, %get3A_133] {strides = array<i32>} : memref<125x80xi32, #tpu.memory_space<vmem>>, vector<1x16xi32>,
    %get3A_135 = vector.shape_cast %get3A_134 : vector<1x16xi32> to vector<16xi32>
    %and3A_136 = arith.constant 65535 : i32
    %and3A_137 = vector.broadcast %and3A_136 : i32 to vector<16xi32>
    %and3A_138 = arith.andi %get3A_135, %and3A_137 : vector<16xi32>
    %shift_right_logical3A_139 = arith.constant 16 : i32
    %shift_right_logical3A_140 = vector.broadcast %shift_right_logical3A_139 : i32 to vector<16xi32>
    %shift_right_logical3A_141 = arith.shrui %get3A_135, %shift_right_logical3A_140 : vector<16xi32>
    %swap3A_142 = arith.constant 32 : index
    %swap3A_143 = tpu.vector_load %arg7[%swap3A_142] {strides = array<i32>} : memref<80xi32, #tpu.memory_space<vmem>>, vector<16xi32>,
    %swap3A_144 = vector.shape_cast %swap3A_143 : vector<16xi32> to vector<16xi32>
    %swap3A_145 = vector.shape_cast %and3A_138 : vector<16xi32> to vector<16xi32>
    tpu.vector_store %arg7[%swap3A_142], %swap3A_145 {strides = array<i32>} : memref<80xi32, #tpu.memory_space<vmem>>, vector<16xi32>,
    %swap3A_146 = arith.constant 32 : index
    %swap3A_147 = tpu.vector_load %arg8[%swap3A_146] {strides = array<i32>} : memref<80xi32, #tpu.memory_space<vmem>>, vector<16xi32>,
    %swap3A_148 = vector.shape_cast %swap3A_147 : vector<16xi32> to vector<16xi32>
    %swap3A_149 = vector.shape_cast %shift_right_logical3A_141 : vector<16xi32> to vector<16xi32>
    tpu.vector_store %arg8[%swap3A_146], %swap3A_149 {strides = array<i32>} : memref<80xi32, #tpu.memory_space<vmem>>, vector<16xi32>,
    %add3A_150 = vector.broadcast %mul3A_2 : i32 to vector<16xi32>
    %add3A_151 = arith.addi %shift_right_logical3A_141, %add3A_150 : vector<16xi32>
    %swap3A_152 = arith.constant 32 : index
    %swap3A_153 = tpu.vector_load %arg9[%swap3A_152] {strides = array<i32>} : memref<80xi32, #tpu.memory_space<vmem>>, vector<16xi32>,
    %swap3A_154 = vector.shape_cast %swap3A_153 : vector<16xi32> to vector<16xi32>
    %swap3A_155 = vector.shape_cast %add3A_151 : vector<16xi32> to vector<16xi32>
    tpu.vector_store %arg9[%swap3A_152], %swap3A_155 {strides = array<i32>} : memref<80xi32, #tpu.memory_space<vmem>>, vector<16xi32>,
    %get3A_156 = arith.constant 0 : i32
    %get3A_157 = arith.index_cast %get3A_156 : i32 to index
    %get3A_158 = arith.constant 48 : index
    %get3A_159 = tpu.vector_load %arg6[%get3A_157, %get3A_158] {strides = array<i32>} : memref<125x80xi32, #tpu.memory_space<vmem>>, vector<1x16xi32>,
    %get3A_160 = vector.shape_cast %get3A_159 : vector<1x16xi32> to vector<16xi32>
    %and3A_161 = arith.constant 65535 : i32
    %and3A_162 = vector.broadcast %and3A_161 : i32 to vector<16xi32>
    %and3A_163 = arith.andi %get3A_160, %and3A_162 : vector<16xi32>
    %shift_right_logical3A_164 = arith.constant 16 : i32
    %shift_right_logical3A_165 = vector.broadcast %shift_right_logical3A_164 : i32 to vector<16xi32>
    %shift_right_logical3A_166 = arith.shrui %get3A_160, %shift_right_logical3A_165 : vector<16xi32>
    %swap3A_167 = arith.constant 48 : index
    %swap3A_168 = tpu.vector_load %arg7[%swap3A_167] {strides = array<i32>} : memref<80xi32, #tpu.memory_space<vmem>>, vector<16xi32>,
    %swap3A_169 = vector.shape_cast %swap3A_168 : vector<16xi32> to vector<16xi32>
    %swap3A_170 = vector.shape_cast %and3A_163 : vector<16xi32> to vector<16xi32>
    tpu.vector_store %arg7[%swap3A_167], %swap3A_170 {strides = array<i32>} : memref<80xi32, #tpu.memory_space<vmem>>, vector<16xi32>,
    %swap3A_171 = arith.constant 48 : index
    %swap3A_172 = tpu.vector_load %arg8[%swap3A_171] {strides = array<i32>} : memref<80xi32, #tpu.memory_space<vmem>>, vector<16xi32>,
    %swap3A_173 = vector.shape_cast %swap3A_172 : vector<16xi32> to vector<16xi32>
    %swap3A_174 = vector.shape_cast %shift_right_logical3A_166 : vector<16xi32> to vector<16xi32>
    tpu.vector_store %arg8[%swap3A_171], %swap3A_174 {strides = array<i32>} : memref<80xi32, #tpu.memory_space<vmem>>, vector<16xi32>,
    %add3A_175 = vector.broadcast %mul3A_2 : i32 to vector<16xi32>
    %add3A_176 = arith.addi %shift_right_logical3A_166, %add3A_175 : vector<16xi32>
    %swap3A_177 = arith.constant 48 : index
    %swap3A_178 = tpu.vector_load %arg9[%swap3A_177] {strides = array<i32>} : memref<80xi32, #tpu.memory_space<vmem>>, vector<16xi32>,
    %swap3A_179 = vector.shape_cast %swap3A_178 : vector<16xi32> to vector<16xi32>
    %swap3A_180 = vector.shape_cast %add3A_176 : vector<16xi32> to vector<16xi32>
    tpu.vector_store %arg9[%swap3A_177], %swap3A_180 {strides = array<i32>} : memref<80xi32, #tpu.memory_space<vmem>>, vector<16xi32>,
    %get3A_181 = arith.constant 0 : i32
    %get3A_182 = arith.index_cast %get3A_181 : i32 to index
    %get3A_183 = arith.constant 64 : index
    %get3A_184 = tpu.vector_load %arg6[%get3A_182, %get3A_183] {strides = array<i32>} : memref<125x80xi32, #tpu.memory_space<vmem>>, vector<1x16xi32>,
    %get3A_185 = vector.shape_cast %get3A_184 : vector<1x16xi32> to vector<16xi32>
    %and3A_186 = arith.constant 65535 : i32
    %and3A_187 = vector.broadcast %and3A_186 : i32 to vector<16xi32>
    %and3A_188 = arith.andi %get3A_185, %and3A_187 : vector<16xi32>
    %shift_right_logical3A_189 = arith.constant 16 : i32
    %shift_right_logical3A_190 = vector.broadcast %shift_right_logical3A_189 : i32 to vector<16xi32>
    %shift_right_logical3A_191 = arith.shrui %get3A_185, %shift_right_logical3A_190 : vector<16xi32>
    %swap3A_192 = arith.constant 64 : index
    %swap3A_193 = tpu.vector_load %arg7[%swap3A_192] {strides = array<i32>} : memref<80xi32, #tpu.memory_space<vmem>>, vector<16xi32>,
    %swap3A_194 = vector.shape_cast %swap3A_193 : vector<16xi32> to vector<16xi32>
    %swap3A_195 = vector.shape_cast %and3A_188 : vector<16xi32> to vector<16xi32>
    tpu.vector_store %arg7[%swap3A_192], %swap3A_195 {strides = array<i32>} : memref<80xi32, #tpu.memory_space<vmem>>, vector<16xi32>,
    %swap3A_196 = arith.constant 64 : index
    %swap3A_197 = tpu.vector_load %arg8[%swap3A_196] {strides = array<i32>} : memref<80xi32, #tpu.memory_space<vmem>>, vector<16xi32>,
    %swap3A_198 = vector.shape_cast %swap3A_197 : vector<16xi32> to vector<16xi32>
    %swap3A_199 = vector.shape_cast %shift_right_logical3A_191 : vector<16xi32> to vector<16xi32>
    tpu.vector_store %arg8[%swap3A_196], %swap3A_199 {strides = array<i32>} : memref<80xi32, #tpu.memory_space<vmem>>, vector<16xi32>,
    %add3A_200 = vector.broadcast %mul3A_2 : i32 to vector<16xi32>
    %add3A_201 = arith.addi %shift_right_logical3A_191, %add3A_200 : vector<16xi32>
    %swap3A_202 = arith.constant 64 : index
    %swap3A_203 = tpu.vector_load %arg9[%swap3A_202] {strides = array<i32>} : memref<80xi32, #tpu.memory_space<vmem>>, vector<16xi32>,
    %swap3A_204 = vector.shape_cast %swap3A_203 : vector<16xi32> to vector<16xi32>
    %swap3A_205 = vector.shape_cast %add3A_201 : vector<16xi32> to vector<16xi32>
    tpu.vector_store %arg9[%swap3A_202], %swap3A_205 {strides = array<i32>} : memref<80xi32, #tpu.memory_space<vmem>>, vector<16xi32>,
    %dma_start3A_206 = arith.constant 0 : i32
    %dma_start3A_207 = arith.constant 0 : i32
    %dma_start3A_208 = tpu.memref_slice %arg2[%dma_start3A_206, %dma_start3A_207] : memref<10000x128xf32, #tpu.memory_space<hbm>> -> memref<10000x128xf32, #tpu.memory_space<hbm>>
    tpu.enqueue_indirect_dma source(%dma_start3A_208 : memref<10000x128xf32, #tpu.memory_space<hbm>>) target(%arg13 : memref<80x128xf32, #tpu.memory_space<vmem>>) offsets(%arg7 : memref<80xi32, #tpu.memory_space<vmem>>) semaphore(%arg19 : memref<!tpu.dma_semaphore, #tpu.memory_space<semaphore_mem>>)
    "tpu.region"() ({
      %run_scoped3A = tpu.sem_alloc : memref<!tpu.dma_semaphore, #tpu.memory_space<semaphore_mem>>
      %dma_start3A_267 = arith.constant 0 : i32
      %dma_start3A_268 = tpu.memref_slice %arg18[%dma_start3A_267] : memref<160000xf32, #tpu.memory_space<vmem_shared>> -> memref<160000xf32, #tpu.memory_space<vmem_shared>>
      tpu.enqueue_indirect_dma source(%arg15 : memref<80xf32, #tpu.memory_space<vmem>>) target(%dma_start3A_268 : memref<160000xf32, #tpu.memory_space<vmem_shared>>) offsets(%arg9 : memref<80xi32, #tpu.memory_space<vmem>>) semaphore(%run_scoped3A : memref<!tpu.dma_semaphore, #tpu.memory_space<semaphore_mem>>) {add = true}
      %dma_wait3A_269 = arith.constant 0 : i32
      %dma_wait3A_270 = tpu.memref_slice %arg18[%dma_wait3A_269] : memref<160000xf32, #tpu.memory_space<vmem_shared>> -> memref<160000xf32, #tpu.memory_space<vmem_shared>>
      tpu.wait_indirect_dma semaphore(%run_scoped3A : memref<!tpu.dma_semaphore, #tpu.memory_space<semaphore_mem>>) src(%arg15 : memref<80xf32, #tpu.memory_space<vmem>>) dst(%dma_wait3A_270 : memref<160000xf32, #tpu.memory_space<vmem_shared>>)
      tpu.yield
    }) : () -> ()
    %barrier3A = arith.constant 0 : index
    tpu.barrier barrier_id(%barrier3A)
    %scan3A_209 = arith.constant 0 : i32
    %scan3A_210 = arith.constant 0 : i32
    %scan3A_211 = arith.constant 62 : i32
    %scan3A_212 = arith.addi %scan3A_210, %scan3A_211 : i32
    %scan3A_213 = arith.constant 1 : i32
    scf.for %scan3A_267 = %scan3A_210 to %scan3A_212 step %scan3A_213  : i32 {
      %mul3A_268 = arith.constant 2 : i32
      %mul3A_269 = arith.muli %mul3A_268, %scan3A_267 : i32
      %add3A_270 = arith.constant 1 : i32
      %add3A_271 = arith.addi %mul3A_269, %add3A_270 : i32
      %get3A_272 = arith.index_cast %add3A_271 : i32 to index
      %get3A_273 = arith.constant 0 : index
      %get3A_274 = tpu.vector_load %arg6[%get3A_272, %get3A_273] {strides = array<i32>} : memref<125x80xi32, #tpu.memory_space<vmem>>, vector<1x16xi32>,
      %get3A_275 = vector.shape_cast %get3A_274 : vector<1x16xi32> to vector<16xi32>
      %and3A_276 = arith.constant 65535 : i32
      %and3A_277 = vector.broadcast %and3A_276 : i32 to vector<16xi32>
      %and3A_278 = arith.andi %get3A_275, %and3A_277 : vector<16xi32>
      %shift_right_logical3A_279 = arith.constant 16 : i32
      %shift_right_logical3A_280 = vector.broadcast %shift_right_logical3A_279 : i32 to vector<16xi32>
      %shift_right_logical3A_281 = arith.shrui %get3A_275, %shift_right_logical3A_280 : vector<16xi32>
      %swap3A_282 = arith.constant 0 : index
      %swap3A_283 = tpu.vector_load %arg10[%swap3A_282] {strides = array<i32>} : memref<80xi32, #tpu.memory_space<vmem>>, vector<16xi32>,
      %swap3A_284 = vector.shape_cast %swap3A_283 : vector<16xi32> to vector<16xi32>
      %swap3A_285 = vector.shape_cast %and3A_278 : vector<16xi32> to vector<16xi32>
      tpu.vector_store %arg10[%swap3A_282], %swap3A_285 {strides = array<i32>} : memref<80xi32, #tpu.memory_space<vmem>>, vector<16xi32>,
      %swap3A_286 = arith.constant 0 : index
      %swap3A_287 = tpu.vector_load %arg11[%swap3A_286] {strides = array<i32>} : memref<80xi32, #tpu.memory_space<vmem>>, vector<16xi32>,
      %swap3A_288 = vector.shape_cast %swap3A_287 : vector<16xi32> to vector<16xi32>
      %swap3A_289 = vector.shape_cast %shift_right_logical3A_281 : vector<16xi32> to vector<16xi32>
      tpu.vector_store %arg11[%swap3A_286], %swap3A_289 {strides = array<i32>} : memref<80xi32, #tpu.memory_space<vmem>>, vector<16xi32>,
      %add3A_290 = vector.broadcast %mul3A_2 : i32 to vector<16xi32>
      %add3A_291 = arith.addi %shift_right_logical3A_281, %add3A_290 : vector<16xi32>
      %swap3A_292 = arith.constant 0 : index
      %swap3A_293 = tpu.vector_load %arg12[%swap3A_292] {strides = array<i32>} : memref<80xi32, #tpu.memory_space<vmem>>, vector<16xi32>,
      %swap3A_294 = vector.shape_cast %swap3A_293 : vector<16xi32> to vector<16xi32>
      %swap3A_295 = vector.shape_cast %add3A_291 : vector<16xi32> to vector<16xi32>
      tpu.vector_store %arg12[%swap3A_292], %swap3A_295 {strides = array<i32>} : memref<80xi32, #tpu.memory_space<vmem>>, vector<16xi32>,
      %get3A_296 = arith.index_cast %add3A_271 : i32 to index
      %get3A_297 = arith.constant 16 : index
      %get3A_298 = tpu.vector_load %arg6[%get3A_296, %get3A_297] {strides = array<i32>} : memref<125x80xi32, #tpu.memory_space<vmem>>, vector<1x16xi32>,
      %get3A_299 = vector.shape_cast %get3A_298 : vector<1x16xi32> to vector<16xi32>
      %and3A_300 = arith.constant 65535 : i32
      %and3A_301 = vector.broadcast %and3A_300 : i32 to vector<16xi32>
      %and3A_302 = arith.andi %get3A_299, %and3A_301 : vector<16xi32>
      %shift_right_logical3A_303 = arith.constant 16 : i32
      %shift_right_logical3A_304 = vector.broadcast %shift_right_logical3A_303 : i32 to vector<16xi32>
      %shift_right_logical3A_305 = arith.shrui %get3A_299, %shift_right_logical3A_304 : vector<16xi32>
      %swap3A_306 = arith.constant 16 : index
      %swap3A_307 = tpu.vector_load %arg10[%swap3A_306] {strides = array<i32>} : memref<80xi32, #tpu.memory_space<vmem>>, vector<16xi32>,
      %swap3A_308 = vector.shape_cast %swap3A_307 : vector<16xi32> to vector<16xi32>
      %swap3A_309 = vector.shape_cast %and3A_302 : vector<16xi32> to vector<16xi32>
      tpu.vector_store %arg10[%swap3A_306], %swap3A_309 {strides = array<i32>} : memref<80xi32, #tpu.memory_space<vmem>>, vector<16xi32>,
      %swap3A_310 = arith.constant 16 : index
      %swap3A_311 = tpu.vector_load %arg11[%swap3A_310] {strides = array<i32>} : memref<80xi32, #tpu.memory_space<vmem>>, vector<16xi32>,
      %swap3A_312 = vector.shape_cast %swap3A_311 : vector<16xi32> to vector<16xi32>
      %swap3A_313 = vector.shape_cast %shift_right_logical3A_305 : vector<16xi32> to vector<16xi32>
      tpu.vector_store %arg11[%swap3A_310], %swap3A_313 {strides = array<i32>} : memref<80xi32, #tpu.memory_space<vmem>>, vector<16xi32>,
      %add3A_314 = vector.broadcast %mul3A_2 : i32 to vector<16xi32>
      %add3A_315 = arith.addi %shift_right_logical3A_305, %add3A_314 : vector<16xi32>
      %swap3A_316 = arith.constant 16 : index
      %swap3A_317 = tpu.vector_load %arg12[%swap3A_316] {strides = array<i32>} : memref<80xi32, #tpu.memory_space<vmem>>, vector<16xi32>,
      %swap3A_318 = vector.shape_cast %swap3A_317 : vector<16xi32> to vector<16xi32>
      %swap3A_319 = vector.shape_cast %add3A_315 : vector<16xi32> to vector<16xi32>
      tpu.vector_store %arg12[%swap3A_316], %swap3A_319 {strides = array<i32>} : memref<80xi32, #tpu.memory_space<vmem>>, vector<16xi32>,
      %get3A_320 = arith.index_cast %add3A_271 : i32 to index
      %get3A_321 = arith.constant 32 : index
      %get3A_322 = tpu.vector_load %arg6[%get3A_320, %get3A_321] {strides = array<i32>} : memref<125x80xi32, #tpu.memory_space<vmem>>, vector<1x16xi32>,
      %get3A_323 = vector.shape_cast %get3A_322 : vector<1x16xi32> to vector<16xi32>
      %and3A_324 = arith.constant 65535 : i32
      %and3A_325 = vector.broadcast %and3A_324 : i32 to vector<16xi32>
      %and3A_326 = arith.andi %get3A_323, %and3A_325 : vector<16xi32>
      %shift_right_logical3A_327 = arith.constant 16 : i32
      %shift_right_logical3A_328 = vector.broadcast %shift_right_logical3A_327 : i32 to vector<16xi32>
      %shift_right_logical3A_329 = arith.shrui %get3A_323, %shift_right_logical3A_328 : vector<16xi32>
      %swap3A_330 = arith.constant 32 : index
      %swap3A_331 = tpu.vector_load %arg10[%swap3A_330] {strides = array<i32>} : memref<80xi32, #tpu.memory_space<vmem>>, vector<16xi32>,
      %swap3A_332 = vector.shape_cast %swap3A_331 : vector<16xi32> to vector<16xi32>
      %swap3A_333 = vector.shape_cast %and3A_326 : vector<16xi32> to vector<16xi32>
      tpu.vector_store %arg10[%swap3A_330], %swap3A_333 {strides = array<i32>} : memref<80xi32, #tpu.memory_space<vmem>>, vector<16xi32>,
      %swap3A_334 = arith.constant 32 : index
      %swap3A_335 = tpu.vector_load %arg11[%swap3A_334] {strides = array<i32>} : memref<80xi32, #tpu.memory_space<vmem>>, vector<16xi32>,
      %swap3A_336 = vector.shape_cast %swap3A_335 : vector<16xi32> to vector<16xi32>
      %swap3A_337 = vector.shape_cast %shift_right_logical3A_329 : vector<16xi32> to vector<16xi32>
      tpu.vector_store %arg11[%swap3A_334], %swap3A_337 {strides = array<i32>} : memref<80xi32, #tpu.memory_space<vmem>>, vector<16xi32>,
      %add3A_338 = vector.broadcast %mul3A_2 : i32 to vector<16xi32>
      %add3A_339 = arith.addi %shift_right_logical3A_329, %add3A_338 : vector<16xi32>
      %swap3A_340 = arith.constant 32 : index
      %swap3A_341 = tpu.vector_load %arg12[%swap3A_340] {strides = array<i32>} : memref<80xi32, #tpu.memory_space<vmem>>, vector<16xi32>,
      %swap3A_342 = vector.shape_cast %swap3A_341 : vector<16xi32> to vector<16xi32>
      %swap3A_343 = vector.shape_cast %add3A_339 : vector<16xi32> to vector<16xi32>
      tpu.vector_store %arg12[%swap3A_340], %swap3A_343 {strides = array<i32>} : memref<80xi32, #tpu.memory_space<vmem>>, vector<16xi32>,
      %get3A_344 = arith.index_cast %add3A_271 : i32 to index
      %get3A_345 = arith.constant 48 : index
      %get3A_346 = tpu.vector_load %arg6[%get3A_344, %get3A_345] {strides = array<i32>} : memref<125x80xi32, #tpu.memory_space<vmem>>, vector<1x16xi32>,
      %get3A_347 = vector.shape_cast %get3A_346 : vector<1x16xi32> to vector<16xi32>
      %and3A_348 = arith.constant 65535 : i32
      %and3A_349 = vector.broadcast %and3A_348 : i32 to vector<16xi32>
      %and3A_350 = arith.andi %get3A_347, %and3A_349 : vector<16xi32>
      %shift_right_logical3A_351 = arith.constant 16 : i32
      %shift_right_logical3A_352 = vector.broadcast %shift_right_logical3A_351 : i32 to vector<16xi32>
      %shift_right_logical3A_353 = arith.shrui %get3A_347, %shift_right_logical3A_352 : vector<16xi32>
      %swap3A_354 = arith.constant 48 : index
      %swap3A_355 = tpu.vector_load %arg10[%swap3A_354] {strides = array<i32>} : memref<80xi32, #tpu.memory_space<vmem>>, vector<16xi32>,
      %swap3A_356 = vector.shape_cast %swap3A_355 : vector<16xi32> to vector<16xi32>
      %swap3A_357 = vector.shape_cast %and3A_350 : vector<16xi32> to vector<16xi32>
      tpu.vector_store %arg10[%swap3A_354], %swap3A_357 {strides = array<i32>} : memref<80xi32, #tpu.memory_space<vmem>>, vector<16xi32>,
      %swap3A_358 = arith.constant 48 : index
      %swap3A_359 = tpu.vector_load %arg11[%swap3A_358] {strides = array<i32>} : memref<80xi32, #tpu.memory_space<vmem>>, vector<16xi32>,
      %swap3A_360 = vector.shape_cast %swap3A_359 : vector<16xi32> to vector<16xi32>
      %swap3A_361 = vector.shape_cast %shift_right_logical3A_353 : vector<16xi32> to vector<16xi32>
      tpu.vector_store %arg11[%swap3A_358], %swap3A_361 {strides = array<i32>} : memref<80xi32, #tpu.memory_space<vmem>>, vector<16xi32>,
      %add3A_362 = vector.broadcast %mul3A_2 : i32 to vector<16xi32>
      %add3A_363 = arith.addi %shift_right_logical3A_353, %add3A_362 : vector<16xi32>
      %swap3A_364 = arith.constant 48 : index
      %swap3A_365 = tpu.vector_load %arg12[%swap3A_364] {strides = array<i32>} : memref<80xi32, #tpu.memory_space<vmem>>, vector<16xi32>,
      %swap3A_366 = vector.shape_cast %swap3A_365 : vector<16xi32> to vector<16xi32>
      %swap3A_367 = vector.shape_cast %add3A_363 : vector<16xi32> to vector<16xi32>
      tpu.vector_store %arg12[%swap3A_364], %swap3A_367 {strides = array<i32>} : memref<80xi32, #tpu.memory_space<vmem>>, vector<16xi32>,
      %get3A_368 = arith.index_cast %add3A_271 : i32 to index
      %get3A_369 = arith.constant 64 : index
      %get3A_370 = tpu.vector_load %arg6[%get3A_368, %get3A_369] {strides = array<i32>} : memref<125x80xi32, #tpu.memory_space<vmem>>, vector<1x16xi32>,
      %get3A_371 = vector.shape_cast %get3A_370 : vector<1x16xi32> to vector<16xi32>
      %and3A_372 = arith.constant 65535 : i32
      %and3A_373 = vector.broadcast %and3A_372 : i32 to vector<16xi32>
      %and3A_374 = arith.andi %get3A_371, %and3A_373 : vector<16xi32>
      %shift_right_logical3A_375 = arith.constant 16 : i32
      %shift_right_logical3A_376 = vector.broadcast %shift_right_logical3A_375 : i32 to vector<16xi32>
      %shift_right_logical3A_377 = arith.shrui %get3A_371, %shift_right_logical3A_376 : vector<16xi32>
      %swap3A_378 = arith.constant 64 : index
      %swap3A_379 = tpu.vector_load %arg10[%swap3A_378] {strides = array<i32>} : memref<80xi32, #tpu.memory_space<vmem>>, vector<16xi32>,
      %swap3A_380 = vector.shape_cast %swap3A_379 : vector<16xi32> to vector<16xi32>
      %swap3A_381 = vector.shape_cast %and3A_374 : vector<16xi32> to vector<16xi32>
      tpu.vector_store %arg10[%swap3A_378], %swap3A_381 {strides = array<i32>} : memref<80xi32, #tpu.memory_space<vmem>>, vector<16xi32>,
      %swap3A_382 = arith.constant 64 : index
      %swap3A_383 = tpu.vector_load %arg11[%swap3A_382] {strides = array<i32>} : memref<80xi32, #tpu.memory_space<vmem>>, vector<16xi32>,
      %swap3A_384 = vector.shape_cast %swap3A_383 : vector<16xi32> to vector<16xi32>
      %swap3A_385 = vector.shape_cast %shift_right_logical3A_377 : vector<16xi32> to vector<16xi32>
      tpu.vector_store %arg11[%swap3A_382], %swap3A_385 {strides = array<i32>} : memref<80xi32, #tpu.memory_space<vmem>>, vector<16xi32>,
      %add3A_386 = vector.broadcast %mul3A_2 : i32 to vector<16xi32>
      %add3A_387 = arith.addi %shift_right_logical3A_377, %add3A_386 : vector<16xi32>
      %swap3A_388 = arith.constant 64 : index
      %swap3A_389 = tpu.vector_load %arg12[%swap3A_388] {strides = array<i32>} : memref<80xi32, #tpu.memory_space<vmem>>, vector<16xi32>,
      %swap3A_390 = vector.shape_cast %swap3A_389 : vector<16xi32> to vector<16xi32>
      %swap3A_391 = vector.shape_cast %add3A_387 : vector<16xi32> to vector<16xi32>
      tpu.vector_store %arg12[%swap3A_388], %swap3A_391 {strides = array<i32>} : memref<80xi32, #tpu.memory_space<vmem>>, vector<16xi32>,
      %dma_start3A_392 = arith.constant 0 : i32
      %dma_start3A_393 = arith.constant 0 : i32
      %dma_start3A_394 = tpu.memref_slice %arg2[%dma_start3A_392, %dma_start3A_393] : memref<10000x128xf32, #tpu.memory_space<hbm>> -> memref<10000x128xf32, #tpu.memory_space<hbm>>
      tpu.enqueue_indirect_dma source(%dma_start3A_394 : memref<10000x128xf32, #tpu.memory_space<hbm>>) target(%arg14 : memref<80x128xf32, #tpu.memory_space<vmem>>) offsets(%arg10 : memref<80xi32, #tpu.memory_space<vmem>>) semaphore(%arg20 : memref<!tpu.dma_semaphore, #tpu.memory_space<semaphore_mem>>)
      "tpu.region"() ({
        %run_scoped3A = tpu.sem_alloc : memref<!tpu.dma_semaphore, #tpu.memory_space<semaphore_mem>>
        %dma_start3A_528 = arith.constant 0 : i32
        %dma_start3A_529 = tpu.memref_slice %arg18[%dma_start3A_528] : memref<160000xf32, #tpu.memory_space<vmem_shared>> -> memref<160000xf32, #tpu.memory_space<vmem_shared>>
        tpu.enqueue_indirect_dma source(%arg15 : memref<80xf32, #tpu.memory_space<vmem>>) target(%dma_start3A_529 : memref<160000xf32, #tpu.memory_space<vmem_shared>>) offsets(%arg12 : memref<80xi32, #tpu.memory_space<vmem>>) semaphore(%run_scoped3A : memref<!tpu.dma_semaphore, #tpu.memory_space<semaphore_mem>>) {add = true}
        %dma_wait3A_530 = arith.constant 0 : i32
        %dma_wait3A_531 = tpu.memref_slice %arg18[%dma_wait3A_530] : memref<160000xf32, #tpu.memory_space<vmem_shared>> -> memref<160000xf32, #tpu.memory_space<vmem_shared>>
        tpu.wait_indirect_dma semaphore(%run_scoped3A : memref<!tpu.dma_semaphore, #tpu.memory_space<semaphore_mem>>) src(%arg15 : memref<80xf32, #tpu.memory_space<vmem>>) dst(%dma_wait3A_531 : memref<160000xf32, #tpu.memory_space<vmem_shared>>)
        tpu.yield
      }) : () -> ()
      %dma_wait3A_395 = arith.constant 0 : i32
      %dma_wait3A_396 = arith.constant 0 : i32
      %dma_wait3A_397 = tpu.memref_slice %arg2[%dma_wait3A_395, %dma_wait3A_396] : memref<10000x128xf32, #tpu.memory_space<hbm>> -> memref<10000x128xf32, #tpu.memory_space<hbm>>
      tpu.wait_indirect_dma semaphore(%arg19 : memref<!tpu.dma_semaphore, #tpu.memory_space<semaphore_mem>>) src(%dma_wait3A_397 : memref<10000x128xf32, #tpu.memory_space<hbm>>) dst(%arg13 : memref<80x128xf32, #tpu.memory_space<vmem>>)
      "tpu.region"() ({
        %run_scoped3A = tpu.sem_alloc : memref<!tpu.dma_semaphore, #tpu.memory_space<semaphore_mem>>
        %dma_start3A_528 = arith.constant 0 : i32
        %dma_start3A_529 = arith.constant 0 : i32
        %dma_start3A_530 = tpu.memref_slice %arg17[%dma_start3A_528, %dma_start3A_529] : memref<10112x128xf32, #tpu.memory_space<vmem_shared>> -> memref<10112x128xf32, #tpu.memory_space<vmem_shared>>
        tpu.enqueue_indirect_dma source(%arg13 : memref<80x128xf32, #tpu.memory_space<vmem>>) target(%dma_start3A_530 : memref<10112x128xf32, #tpu.memory_space<vmem_shared>>) offsets(%arg8 : memref<80xi32, #tpu.memory_space<vmem>>) semaphore(%run_scoped3A : memref<!tpu.dma_semaphore, #tpu.memory_space<semaphore_mem>>) {add = true}
        %dma_wait3A_531 = arith.constant 0 : i32
        %dma_wait3A_532 = arith.constant 0 : i32
        %dma_wait3A_533 = tpu.memref_slice %arg17[%dma_wait3A_531, %dma_wait3A_532] : memref<10112x128xf32, #tpu.memory_space<vmem_shared>> -> memref<10112x128xf32, #tpu.memory_space<vmem_shared>>
        tpu.wait_indirect_dma semaphore(%run_scoped3A : memref<!tpu.dma_semaphore, #tpu.memory_space<semaphore_mem>>) src(%arg13 : memref<80x128xf32, #tpu.memory_space<vmem>>) dst(%dma_wait3A_533 : memref<10112x128xf32, #tpu.memory_space<vmem_shared>>)
        tpu.yield
      }) : () -> ()
      %mul3A_398 = arith.constant 2 : i32
      %mul3A_399 = arith.muli %mul3A_398, %scan3A_267 : i32
      %add3A_400 = arith.constant 2 : i32
      %add3A_401 = arith.addi %mul3A_399, %add3A_400 : i32
      %get3A_402 = arith.index_cast %add3A_401 : i32 to index
      %get3A_403 = arith.constant 0 : index
      %get3A_404 = tpu.vector_load %arg6[%get3A_402, %get3A_403] {strides = array<i32>} : memref<125x80xi32, #tpu.memory_space<vmem>>, vector<1x16xi32>,
      %get3A_405 = vector.shape_cast %get3A_404 : vector<1x16xi32> to vector<16xi32>
      %and3A_406 = arith.constant 65535 : i32
      %and3A_407 = vector.broadcast %and3A_406 : i32 to vector<16xi32>
      %and3A_408 = arith.andi %get3A_405, %and3A_407 : vector<16xi32>
      %shift_right_logical3A_409 = arith.constant 16 : i32
      %shift_right_logical3A_410 = vector.broadcast %shift_right_logical3A_409 : i32 to vector<16xi32>
      %shift_right_logical3A_411 = arith.shrui %get3A_405, %shift_right_logical3A_410 : vector<16xi32>
      %swap3A_412 = arith.constant 0 : index
      %swap3A_413 = tpu.vector_load %arg7[%swap3A_412] {strides = array<i32>} : memref<80xi32, #tpu.memory_space<vmem>>, vector<16xi32>,
      %swap3A_414 = vector.shape_cast %swap3A_413 : vector<16xi32> to vector<16xi32>
      %swap3A_415 = vector.shape_cast %and3A_408 : vector<16xi32> to vector<16xi32>
      tpu.vector_store %arg7[%swap3A_412], %swap3A_415 {strides = array<i32>} : memref<80xi32, #tpu.memory_space<vmem>>, vector<16xi32>,
      %swap3A_416 = arith.constant 0 : index
      %swap3A_417 = tpu.vector_load %arg8[%swap3A_416] {strides = array<i32>} : memref<80xi32, #tpu.memory_space<vmem>>, vector<16xi32>,
      %swap3A_418 = vector.shape_cast %swap3A_417 : vector<16xi32> to vector<16xi32>
      %swap3A_419 = vector.shape_cast %shift_right_logical3A_411 : vector<16xi32> to vector<16xi32>
      tpu.vector_store %arg8[%swap3A_416], %swap3A_419 {strides = array<i32>} : memref<80xi32, #tpu.memory_space<vmem>>, vector<16xi32>,
      %add3A_420 = vector.broadcast %mul3A_2 : i32 to vector<16xi32>
      %add3A_421 = arith.addi %shift_right_logical3A_411, %add3A_420 : vector<16xi32>
      %swap3A_422 = arith.constant 0 : index
      %swap3A_423 = tpu.vector_load %arg9[%swap3A_422] {strides = array<i32>} : memref<80xi32, #tpu.memory_space<vmem>>, vector<16xi32>,
      %swap3A_424 = vector.shape_cast %swap3A_423 : vector<16xi32> to vector<16xi32>
      %swap3A_425 = vector.shape_cast %add3A_421 : vector<16xi32> to vector<16xi32>
      tpu.vector_store %arg9[%swap3A_422], %swap3A_425 {strides = array<i32>} : memref<80xi32, #tpu.memory_space<vmem>>, vector<16xi32>,
      %get3A_426 = arith.index_cast %add3A_401 : i32 to index
      %get3A_427 = arith.constant 16 : index
      %get3A_428 = tpu.vector_load %arg6[%get3A_426, %get3A_427] {strides = array<i32>} : memref<125x80xi32, #tpu.memory_space<vmem>>, vector<1x16xi32>,
      %get3A_429 = vector.shape_cast %get3A_428 : vector<1x16xi32> to vector<16xi32>
      %and3A_430 = arith.constant 65535 : i32
      %and3A_431 = vector.broadcast %and3A_430 : i32 to vector<16xi32>
      %and3A_432 = arith.andi %get3A_429, %and3A_431 : vector<16xi32>
      %shift_right_logical3A_433 = arith.constant 16 : i32
      %shift_right_logical3A_434 = vector.broadcast %shift_right_logical3A_433 : i32 to vector<16xi32>
      %shift_right_logical3A_435 = arith.shrui %get3A_429, %shift_right_logical3A_434 : vector<16xi32>
      %swap3A_436 = arith.constant 16 : index
      %swap3A_437 = tpu.vector_load %arg7[%swap3A_436] {strides = array<i32>} : memref<80xi32, #tpu.memory_space<vmem>>, vector<16xi32>,
      %swap3A_438 = vector.shape_cast %swap3A_437 : vector<16xi32> to vector<16xi32>
      %swap3A_439 = vector.shape_cast %and3A_432 : vector<16xi32> to vector<16xi32>
      tpu.vector_store %arg7[%swap3A_436], %swap3A_439 {strides = array<i32>} : memref<80xi32, #tpu.memory_space<vmem>>, vector<16xi32>,
      %swap3A_440 = arith.constant 16 : index
      %swap3A_441 = tpu.vector_load %arg8[%swap3A_440] {strides = array<i32>} : memref<80xi32, #tpu.memory_space<vmem>>, vector<16xi32>,
      %swap3A_442 = vector.shape_cast %swap3A_441 : vector<16xi32> to vector<16xi32>
      %swap3A_443 = vector.shape_cast %shift_right_logical3A_435 : vector<16xi32> to vector<16xi32>
      tpu.vector_store %arg8[%swap3A_440], %swap3A_443 {strides = array<i32>} : memref<80xi32, #tpu.memory_space<vmem>>, vector<16xi32>,
      %add3A_444 = vector.broadcast %mul3A_2 : i32 to vector<16xi32>
      %add3A_445 = arith.addi %shift_right_logical3A_435, %add3A_444 : vector<16xi32>
      %swap3A_446 = arith.constant 16 : index
      %swap3A_447 = tpu.vector_load %arg9[%swap3A_446] {strides = array<i32>} : memref<80xi32, #tpu.memory_space<vmem>>, vector<16xi32>,
      %swap3A_448 = vector.shape_cast %swap3A_447 : vector<16xi32> to vector<16xi32>
      %swap3A_449 = vector.shape_cast %add3A_445 : vector<16xi32> to vector<16xi32>
      tpu.vector_store %arg9[%swap3A_446], %swap3A_449 {strides = array<i32>} : memref<80xi32, #tpu.memory_space<vmem>>, vector<16xi32>,
      %get3A_450 = arith.index_cast %add3A_401 : i32 to index
      %get3A_451 = arith.constant 32 : index
      %get3A_452 = tpu.vector_load %arg6[%get3A_450, %get3A_451] {strides = array<i32>} : memref<125x80xi32, #tpu.memory_space<vmem>>, vector<1x16xi32>,
      %get3A_453 = vector.shape_cast %get3A_452 : vector<1x16xi32> to vector<16xi32>
      %and3A_454 = arith.constant 65535 : i32
      %and3A_455 = vector.broadcast %and3A_454 : i32 to vector<16xi32>
      %and3A_456 = arith.andi %get3A_453, %and3A_455 : vector<16xi32>
      %shift_right_logical3A_457 = arith.constant 16 : i32
      %shift_right_logical3A_458 = vector.broadcast %shift_right_logical3A_457 : i32 to vector<16xi32>
      %shift_right_logical3A_459 = arith.shrui %get3A_453, %shift_right_logical3A_458 : vector<16xi32>
      %swap3A_460 = arith.constant 32 : index
      %swap3A_461 = tpu.vector_load %arg7[%swap3A_460] {strides = array<i32>} : memref<80xi32, #tpu.memory_space<vmem>>, vector<16xi32>,
      %swap3A_462 = vector.shape_cast %swap3A_461 : vector<16xi32> to vector<16xi32>
      %swap3A_463 = vector.shape_cast %and3A_456 : vector<16xi32> to vector<16xi32>
      tpu.vector_store %arg7[%swap3A_460], %swap3A_463 {strides = array<i32>} : memref<80xi32, #tpu.memory_space<vmem>>, vector<16xi32>,
      %swap3A_464 = arith.constant 32 : index
      %swap3A_465 = tpu.vector_load %arg8[%swap3A_464] {strides = array<i32>} : memref<80xi32, #tpu.memory_space<vmem>>, vector<16xi32>,
      %swap3A_466 = vector.shape_cast %swap3A_465 : vector<16xi32> to vector<16xi32>
      %swap3A_467 = vector.shape_cast %shift_right_logical3A_459 : vector<16xi32> to vector<16xi32>
      tpu.vector_store %arg8[%swap3A_464], %swap3A_467 {strides = array<i32>} : memref<80xi32, #tpu.memory_space<vmem>>, vector<16xi32>,
      %add3A_468 = vector.broadcast %mul3A_2 : i32 to vector<16xi32>
      %add3A_469 = arith.addi %shift_right_logical3A_459, %add3A_468 : vector<16xi32>
      %swap3A_470 = arith.constant 32 : index
      %swap3A_471 = tpu.vector_load %arg9[%swap3A_470] {strides = array<i32>} : memref<80xi32, #tpu.memory_space<vmem>>, vector<16xi32>,
      %swap3A_472 = vector.shape_cast %swap3A_471 : vector<16xi32> to vector<16xi32>
      %swap3A_473 = vector.shape_cast %add3A_469 : vector<16xi32> to vector<16xi32>
      tpu.vector_store %arg9[%swap3A_470], %swap3A_473 {strides = array<i32>} : memref<80xi32, #tpu.memory_space<vmem>>, vector<16xi32>,
      %get3A_474 = arith.index_cast %add3A_401 : i32 to index
      %get3A_475 = arith.constant 48 : index
      %get3A_476 = tpu.vector_load %arg6[%get3A_474, %get3A_475] {strides = array<i32>} : memref<125x80xi32, #tpu.memory_space<vmem>>, vector<1x16xi32>,
      %get3A_477 = vector.shape_cast %get3A_476 : vector<1x16xi32> to vector<16xi32>
      %and3A_478 = arith.constant 65535 : i32
      %and3A_479 = vector.broadcast %and3A_478 : i32 to vector<16xi32>
      %and3A_480 = arith.andi %get3A_477, %and3A_479 : vector<16xi32>
      %shift_right_logical3A_481 = arith.constant 16 : i32
      %shift_right_logical3A_482 = vector.broadcast %shift_right_logical3A_481 : i32 to vector<16xi32>
      %shift_right_logical3A_483 = arith.shrui %get3A_477, %shift_right_logical3A_482 : vector<16xi32>
      %swap3A_484 = arith.constant 48 : index
      %swap3A_485 = tpu.vector_load %arg7[%swap3A_484] {strides = array<i32>} : memref<80xi32, #tpu.memory_space<vmem>>, vector<16xi32>,
      %swap3A_486 = vector.shape_cast %swap3A_485 : vector<16xi32> to vector<16xi32>
      %swap3A_487 = vector.shape_cast %and3A_480 : vector<16xi32> to vector<16xi32>
      tpu.vector_store %arg7[%swap3A_484], %swap3A_487 {strides = array<i32>} : memref<80xi32, #tpu.memory_space<vmem>>, vector<16xi32>,
      %swap3A_488 = arith.constant 48 : index
      %swap3A_489 = tpu.vector_load %arg8[%swap3A_488] {strides = array<i32>} : memref<80xi32, #tpu.memory_space<vmem>>, vector<16xi32>,
      %swap3A_490 = vector.shape_cast %swap3A_489 : vector<16xi32> to vector<16xi32>
      %swap3A_491 = vector.shape_cast %shift_right_logical3A_483 : vector<16xi32> to vector<16xi32>
      tpu.vector_store %arg8[%swap3A_488], %swap3A_491 {strides = array<i32>} : memref<80xi32, #tpu.memory_space<vmem>>, vector<16xi32>,
      %add3A_492 = vector.broadcast %mul3A_2 : i32 to vector<16xi32>
      %add3A_493 = arith.addi %shift_right_logical3A_483, %add3A_492 : vector<16xi32>
      %swap3A_494 = arith.constant 48 : index
      %swap3A_495 = tpu.vector_load %arg9[%swap3A_494] {strides = array<i32>} : memref<80xi32, #tpu.memory_space<vmem>>, vector<16xi32>,
      %swap3A_496 = vector.shape_cast %swap3A_495 : vector<16xi32> to vector<16xi32>
      %swap3A_497 = vector.shape_cast %add3A_493 : vector<16xi32> to vector<16xi32>
      tpu.vector_store %arg9[%swap3A_494], %swap3A_497 {strides = array<i32>} : memref<80xi32, #tpu.memory_space<vmem>>, vector<16xi32>,
      %get3A_498 = arith.index_cast %add3A_401 : i32 to index
      %get3A_499 = arith.constant 64 : index
      %get3A_500 = tpu.vector_load %arg6[%get3A_498, %get3A_499] {strides = array<i32>} : memref<125x80xi32, #tpu.memory_space<vmem>>, vector<1x16xi32>,
      %get3A_501 = vector.shape_cast %get3A_500 : vector<1x16xi32> to vector<16xi32>
      %and3A_502 = arith.constant 65535 : i32
      %and3A_503 = vector.broadcast %and3A_502 : i32 to vector<16xi32>
      %and3A_504 = arith.andi %get3A_501, %and3A_503 : vector<16xi32>
      %shift_right_logical3A_505 = arith.constant 16 : i32
      %shift_right_logical3A_506 = vector.broadcast %shift_right_logical3A_505 : i32 to vector<16xi32>
      %shift_right_logical3A_507 = arith.shrui %get3A_501, %shift_right_logical3A_506 : vector<16xi32>
      %swap3A_508 = arith.constant 64 : index
      %swap3A_509 = tpu.vector_load %arg7[%swap3A_508] {strides = array<i32>} : memref<80xi32, #tpu.memory_space<vmem>>, vector<16xi32>,
      %swap3A_510 = vector.shape_cast %swap3A_509 : vector<16xi32> to vector<16xi32>
      %swap3A_511 = vector.shape_cast %and3A_504 : vector<16xi32> to vector<16xi32>
      tpu.vector_store %arg7[%swap3A_508], %swap3A_511 {strides = array<i32>} : memref<80xi32, #tpu.memory_space<vmem>>, vector<16xi32>,
      %swap3A_512 = arith.constant 64 : index
      %swap3A_513 = tpu.vector_load %arg8[%swap3A_512] {strides = array<i32>} : memref<80xi32, #tpu.memory_space<vmem>>, vector<16xi32>,
      %swap3A_514 = vector.shape_cast %swap3A_513 : vector<16xi32> to vector<16xi32>
      %swap3A_515 = vector.shape_cast %shift_right_logical3A_507 : vector<16xi32> to vector<16xi32>
      tpu.vector_store %arg8[%swap3A_512], %swap3A_515 {strides = array<i32>} : memref<80xi32, #tpu.memory_space<vmem>>, vector<16xi32>,
      %add3A_516 = vector.broadcast %mul3A_2 : i32 to vector<16xi32>
      %add3A_517 = arith.addi %shift_right_logical3A_507, %add3A_516 : vector<16xi32>
      %swap3A_518 = arith.constant 64 : index
      %swap3A_519 = tpu.vector_load %arg9[%swap3A_518] {strides = array<i32>} : memref<80xi32, #tpu.memory_space<vmem>>, vector<16xi32>,
      %swap3A_520 = vector.shape_cast %swap3A_519 : vector<16xi32> to vector<16xi32>
      %swap3A_521 = vector.shape_cast %add3A_517 : vector<16xi32> to vector<16xi32>
      tpu.vector_store %arg9[%swap3A_518], %swap3A_521 {strides = array<i32>} : memref<80xi32, #tpu.memory_space<vmem>>, vector<16xi32>,
      %dma_start3A_522 = arith.constant 0 : i32
      %dma_start3A_523 = arith.constant 0 : i32
      %dma_start3A_524 = tpu.memref_slice %arg2[%dma_start3A_522, %dma_start3A_523] : memref<10000x128xf32, #tpu.memory_space<hbm>> -> memref<10000x128xf32, #tpu.memory_space<hbm>>
      tpu.enqueue_indirect_dma source(%dma_start3A_524 : memref<10000x128xf32, #tpu.memory_space<hbm>>) target(%arg13 : memref<80x128xf32, #tpu.memory_space<vmem>>) offsets(%arg7 : memref<80xi32, #tpu.memory_space<vmem>>) semaphore(%arg19 : memref<!tpu.dma_semaphore, #tpu.memory_space<semaphore_mem>>)
      "tpu.region"() ({
        %run_scoped3A = tpu.sem_alloc : memref<!tpu.dma_semaphore, #tpu.memory_space<semaphore_mem>>
        %dma_start3A_528 = arith.constant 0 : i32
        %dma_start3A_529 = tpu.memref_slice %arg18[%dma_start3A_528] : memref<160000xf32, #tpu.memory_space<vmem_shared>> -> memref<160000xf32, #tpu.memory_space<vmem_shared>>
        tpu.enqueue_indirect_dma source(%arg15 : memref<80xf32, #tpu.memory_space<vmem>>) target(%dma_start3A_529 : memref<160000xf32, #tpu.memory_space<vmem_shared>>) offsets(%arg9 : memref<80xi32, #tpu.memory_space<vmem>>) semaphore(%run_scoped3A : memref<!tpu.dma_semaphore, #tpu.memory_space<semaphore_mem>>) {add = true}
        %dma_wait3A_530 = arith.constant 0 : i32
        %dma_wait3A_531 = tpu.memref_slice %arg18[%dma_wait3A_530] : memref<160000xf32, #tpu.memory_space<vmem_shared>> -> memref<160000xf32, #tpu.memory_space<vmem_shared>>
        tpu.wait_indirect_dma semaphore(%run_scoped3A : memref<!tpu.dma_semaphore, #tpu.memory_space<semaphore_mem>>) src(%arg15 : memref<80xf32, #tpu.memory_space<vmem>>) dst(%dma_wait3A_531 : memref<160000xf32, #tpu.memory_space<vmem_shared>>)
        tpu.yield
      }) : () -> ()
      %dma_wait3A_525 = arith.constant 0 : i32
      %dma_wait3A_526 = arith.constant 0 : i32
      %dma_wait3A_527 = tpu.memref_slice %arg2[%dma_wait3A_525, %dma_wait3A_526] : memref<10000x128xf32, #tpu.memory_space<hbm>> -> memref<10000x128xf32, #tpu.memory_space<hbm>>
      tpu.wait_indirect_dma semaphore(%arg20 : memref<!tpu.dma_semaphore, #tpu.memory_space<semaphore_mem>>) src(%dma_wait3A_527 : memref<10000x128xf32, #tpu.memory_space<hbm>>) dst(%arg14 : memref<80x128xf32, #tpu.memory_space<vmem>>)
      "tpu.region"() ({
        %run_scoped3A = tpu.sem_alloc : memref<!tpu.dma_semaphore, #tpu.memory_space<semaphore_mem>>
        %dma_start3A_528 = arith.constant 0 : i32
        %dma_start3A_529 = arith.constant 0 : i32
        %dma_start3A_530 = tpu.memref_slice %arg17[%dma_start3A_528, %dma_start3A_529] : memref<10112x128xf32, #tpu.memory_space<vmem_shared>> -> memref<10112x128xf32, #tpu.memory_space<vmem_shared>>
        tpu.enqueue_indirect_dma source(%arg14 : memref<80x128xf32, #tpu.memory_space<vmem>>) target(%dma_start3A_530 : memref<10112x128xf32, #tpu.memory_space<vmem_shared>>) offsets(%arg11 : memref<80xi32, #tpu.memory_space<vmem>>) semaphore(%run_scoped3A : memref<!tpu.dma_semaphore, #tpu.memory_space<semaphore_mem>>) {add = true}
        %dma_wait3A_531 = arith.constant 0 : i32
        %dma_wait3A_532 = arith.constant 0 : i32
        %dma_wait3A_533 = tpu.memref_slice %arg17[%dma_wait3A_531, %dma_wait3A_532] : memref<10112x128xf32, #tpu.memory_space<vmem_shared>> -> memref<10112x128xf32, #tpu.memory_space<vmem_shared>>
        tpu.wait_indirect_dma semaphore(%run_scoped3A : memref<!tpu.dma_semaphore, #tpu.memory_space<semaphore_mem>>) src(%arg14 : memref<80x128xf32, #tpu.memory_space<vmem>>) dst(%dma_wait3A_533 : memref<10112x128xf32, #tpu.memory_space<vmem_shared>>)
        tpu.yield
      }) : () -> ()
    }
    %scan3A_214 = arith.constant 62 : i32
    %dma_wait3A_215 = arith.constant 0 : i32
    %dma_wait3A_216 = arith.constant 0 : i32
    %dma_wait3A_217 = tpu.memref_slice %arg2[%dma_wait3A_215, %dma_wait3A_216] : memref<10000x128xf32, #tpu.memory_space<hbm>> -> memref<10000x128xf32, #tpu.memory_space<hbm>>
    tpu.wait_indirect_dma semaphore(%arg19 : memref<!tpu.dma_semaphore, #tpu.memory_space<semaphore_mem>>) src(%dma_wait3A_217 : memref<10000x128xf32, #tpu.memory_space<hbm>>) dst(%arg13 : memref<80x128xf32, #tpu.memory_space<vmem>>)
    "tpu.region"() ({
      %run_scoped3A = tpu.sem_alloc : memref<!tpu.dma_semaphore, #tpu.memory_space<semaphore_mem>>
      %dma_start3A_267 = arith.constant 0 : i32
      %dma_start3A_268 = arith.constant 0 : i32
      %dma_start3A_269 = tpu.memref_slice %arg17[%dma_start3A_267, %dma_start3A_268] : memref<10112x128xf32, #tpu.memory_space<vmem_shared>> -> memref<10112x128xf32, #tpu.memory_space<vmem_shared>>
      tpu.enqueue_indirect_dma source(%arg13 : memref<80x128xf32, #tpu.memory_space<vmem>>) target(%dma_start3A_269 : memref<10112x128xf32, #tpu.memory_space<vmem_shared>>) offsets(%arg8 : memref<80xi32, #tpu.memory_space<vmem>>) semaphore(%run_scoped3A : memref<!tpu.dma_semaphore, #tpu.memory_space<semaphore_mem>>) {add = true}
      %dma_wait3A_270 = arith.constant 0 : i32
      %dma_wait3A_271 = arith.constant 0 : i32
      %dma_wait3A_272 = tpu.memref_slice %arg17[%dma_wait3A_270, %dma_wait3A_271] : memref<10112x128xf32, #tpu.memory_space<vmem_shared>> -> memref<10112x128xf32, #tpu.memory_space<vmem_shared>>
      tpu.wait_indirect_dma semaphore(%run_scoped3A : memref<!tpu.dma_semaphore, #tpu.memory_space<semaphore_mem>>) src(%arg13 : memref<80x128xf32, #tpu.memory_space<vmem>>) dst(%dma_wait3A_272 : memref<10112x128xf32, #tpu.memory_space<vmem_shared>>)
      tpu.yield
    }) : () -> ()
    %barrier3A_218 = arith.constant 0 : index
    tpu.barrier barrier_id(%barrier3A_218)
    "tpu.region"() ({
      %run_scoped3A = tpu.sem_alloc : memref<!tpu.dma_semaphore, #tpu.memory_space<semaphore_mem>>
      %dma_start3A_267 = arith.constant 0 : i32
      %dma_start3A_268 = tpu.memref_slice %arg4[%arg0, %mul3A_38, %dma_start3A_267] : memref<2x10112x128xf32, #tpu.memory_space<hbm>> -> memref<1x632x128xf32, #tpu.memory_space<hbm>>
      %dma_start3A_269 = tpu.memref_squeeze %dma_start3A_268 : memref<1x632x128xf32, #tpu.memory_space<hbm>> -> memref<632x128xf32, #tpu.memory_space<hbm>>
      %dma_start3A_270 = arith.constant 0 : i32
      %dma_start3A_271 = tpu.memref_slice %arg17[%mul3A_38, %dma_start3A_270] : memref<10112x128xf32, #tpu.memory_space<vmem_shared>> -> memref<632x128xf32, #tpu.memory_space<vmem_shared>>
      tpu.enqueue_dma source(%dma_start3A_271 : memref<632x128xf32, #tpu.memory_space<vmem_shared>>) target(%dma_start3A_269 : memref<632x128xf32, #tpu.memory_space<hbm>>) target_semaphore(%run_scoped3A : memref<!tpu.dma_semaphore, #tpu.memory_space<semaphore_mem>>)
      %dma_wait3A_272 = arith.constant 0 : i32
      %dma_wait3A_273 = tpu.memref_slice %arg4[%arg0, %mul3A_38, %dma_wait3A_272] : memref<2x10112x128xf32, #tpu.memory_space<hbm>> -> memref<1x632x128xf32, #tpu.memory_space<hbm>>
      %dma_wait3A_274 = tpu.memref_squeeze %dma_wait3A_273 : memref<1x632x128xf32, #tpu.memory_space<hbm>> -> memref<632x128xf32, #tpu.memory_space<hbm>>
      %dma_wait3A_275 = arith.constant 0 : i32
      %dma_wait3A_276 = tpu.memref_slice %arg17[%mul3A_38, %dma_wait3A_275] : memref<10112x128xf32, #tpu.memory_space<vmem_shared>> -> memref<632x128xf32, #tpu.memory_space<vmem_shared>>
      tpu.wait_dma2 semaphore(%run_scoped3A : memref<!tpu.dma_semaphore, #tpu.memory_space<semaphore_mem>>) src(%dma_wait3A_276 : memref<632x128xf32, #tpu.memory_space<vmem_shared>>) dst(%dma_wait3A_274 : memref<632x128xf32, #tpu.memory_space<hbm>>)
      tpu.yield
    }) : () -> ()
    %add3A_219 = arith.constant 0 : i32
    %add3A_220 = arith.addi %mul3A_2, %add3A_219 : i32
    "tpu.region"() ({
      %run_scoped3A = tpu.sem_alloc : memref<!tpu.dma_semaphore, #tpu.memory_space<semaphore_mem>>
      %dma_start3A_267 = tpu.memref_slice %arg18[%add3A_220] : memref<160000xf32, #tpu.memory_space<vmem_shared>> -> memref<1280xf32, #tpu.memory_space<vmem_shared>>
      %dma_start3A_268 = tpu.memref_slice %arg18[%add3A_220] : memref<160000xf32, #tpu.memory_space<vmem_shared>> -> memref<1280xf32, #tpu.memory_space<vmem_shared>>
      tpu.enqueue_dma source(%dma_start3A_268 : memref<1280xf32, #tpu.memory_space<vmem_shared>>) target(%arg16 : memref<1280xf32, #tpu.memory_space<vmem>>) target_semaphore(%run_scoped3A : memref<!tpu.dma_semaphore, #tpu.memory_space<semaphore_mem>>)
      %dma_wait3A_269 = tpu.memref_slice %arg18[%add3A_220] : memref<160000xf32, #tpu.memory_space<vmem_shared>> -> memref<1280xf32, #tpu.memory_space<vmem_shared>>
      %dma_wait3A_270 = tpu.memref_slice %arg18[%add3A_220] : memref<160000xf32, #tpu.memory_space<vmem_shared>> -> memref<1280xf32, #tpu.memory_space<vmem_shared>>
      tpu.wait_dma2 semaphore(%run_scoped3A : memref<!tpu.dma_semaphore, #tpu.memory_space<semaphore_mem>>) src(%dma_wait3A_270 : memref<1280xf32, #tpu.memory_space<vmem_shared>>) dst(%arg16 : memref<1280xf32, #tpu.memory_space<vmem>>)
      tpu.yield
    }) : () -> ()
    %mul3A_221 = arith.constant 10000 : i32
    %mul3A_222 = arith.muli %add3A, %mul3A_221 : i32
    %add3A_223 = arith.constant 0 : i32
    %add3A_224 = arith.addi %mul3A_222, %add3A_223 : i32
    "tpu.region"() ({
      %run_scoped3A = tpu.sem_alloc : memref<!tpu.dma_semaphore, #tpu.memory_space<semaphore_mem>>
      %dma_start3A_267 = tpu.memref_slice %arg5[%add3A_224] : memref<320000xf32, #tpu.memory_space<hbm>> -> memref<1280xf32, #tpu.memory_space<hbm>>
      %dma_start3A_268 = tpu.memref_slice %arg5[%add3A_224] : memref<320000xf32, #tpu.memory_space<hbm>> -> memref<1280xf32, #tpu.memory_space<hbm>>
      tpu.enqueue_dma source(%arg16 : memref<1280xf32, #tpu.memory_space<vmem>>) target(%dma_start3A_268 : memref<1280xf32, #tpu.memory_space<hbm>>) target_semaphore(%run_scoped3A : memref<!tpu.dma_semaphore, #tpu.memory_space<semaphore_mem>>)
      %dma_wait3A_269 = tpu.memref_slice %arg5[%add3A_224] : memref<320000xf32, #tpu.memory_space<hbm>> -> memref<1280xf32, #tpu.memory_space<hbm>>
      %dma_wait3A_270 = tpu.memref_slice %arg5[%add3A_224] : memref<320000xf32, #tpu.memory_space<hbm>> -> memref<1280xf32, #tpu.memory_space<hbm>>
      tpu.wait_dma2 semaphore(%run_scoped3A : memref<!tpu.dma_semaphore, #tpu.memory_space<semaphore_mem>>) src(%arg16 : memref<1280xf32, #tpu.memory_space<vmem>>) dst(%dma_wait3A_270 : memref<1280xf32, #tpu.memory_space<hbm>>)
      tpu.yield
    }) : () -> ()
    %add3A_225 = arith.constant 1280 : i32
    %add3A_226 = arith.addi %mul3A_2, %add3A_225 : i32
    "tpu.region"() ({
      %run_scoped3A = tpu.sem_alloc : memref<!tpu.dma_semaphore, #tpu.memory_space<semaphore_mem>>
      %dma_start3A_267 = tpu.memref_slice %arg18[%add3A_226] : memref<160000xf32, #tpu.memory_space<vmem_shared>> -> memref<1280xf32, #tpu.memory_space<vmem_shared>>
      %dma_start3A_268 = tpu.memref_slice %arg18[%add3A_226] : memref<160000xf32, #tpu.memory_space<vmem_shared>> -> memref<1280xf32, #tpu.memory_space<vmem_shared>>
      tpu.enqueue_dma source(%dma_start3A_268 : memref<1280xf32, #tpu.memory_space<vmem_shared>>) target(%arg16 : memref<1280xf32, #tpu.memory_space<vmem>>) target_semaphore(%run_scoped3A : memref<!tpu.dma_semaphore, #tpu.memory_space<semaphore_mem>>)
      %dma_wait3A_269 = tpu.memref_slice %arg18[%add3A_226] : memref<160000xf32, #tpu.memory_space<vmem_shared>> -> memref<1280xf32, #tpu.memory_space<vmem_shared>>
      %dma_wait3A_270 = tpu.memref_slice %arg18[%add3A_226] : memref<160000xf32, #tpu.memory_space<vmem_shared>> -> memref<1280xf32, #tpu.memory_space<vmem_shared>>
      tpu.wait_dma2 semaphore(%run_scoped3A : memref<!tpu.dma_semaphore, #tpu.memory_space<semaphore_mem>>) src(%dma_wait3A_270 : memref<1280xf32, #tpu.memory_space<vmem_shared>>) dst(%arg16 : memref<1280xf32, #tpu.memory_space<vmem>>)
      tpu.yield
    }) : () -> ()
    %mul3A_227 = arith.constant 10000 : i32
    %mul3A_228 = arith.muli %add3A, %mul3A_227 : i32
    %add3A_229 = arith.constant 1280 : i32
    %add3A_230 = arith.addi %mul3A_228, %add3A_229 : i32
    "tpu.region"() ({
      %run_scoped3A = tpu.sem_alloc : memref<!tpu.dma_semaphore, #tpu.memory_space<semaphore_mem>>
      %dma_start3A_267 = tpu.memref_slice %arg5[%add3A_230] : memref<320000xf32, #tpu.memory_space<hbm>> -> memref<1280xf32, #tpu.memory_space<hbm>>
      %dma_start3A_268 = tpu.memref_slice %arg5[%add3A_230] : memref<320000xf32, #tpu.memory_space<hbm>> -> memref<1280xf32, #tpu.memory_space<hbm>>
      tpu.enqueue_dma source(%arg16 : memref<1280xf32, #tpu.memory_space<vmem>>) target(%dma_start3A_268 : memref<1280xf32, #tpu.memory_space<hbm>>) target_semaphore(%run_scoped3A : memref<!tpu.dma_semaphore, #tpu.memory_space<semaphore_mem>>)
      %dma_wait3A_269 = tpu.memref_slice %arg5[%add3A_230] : memref<320000xf32, #tpu.memory_space<hbm>> -> memref<1280xf32, #tpu.memory_space<hbm>>
      %dma_wait3A_270 = tpu.memref_slice %arg5[%add3A_230] : memref<320000xf32, #tpu.memory_space<hbm>> -> memref<1280xf32, #tpu.memory_space<hbm>>
      tpu.wait_dma2 semaphore(%run_scoped3A : memref<!tpu.dma_semaphore, #tpu.memory_space<semaphore_mem>>) src(%arg16 : memref<1280xf32, #tpu.memory_space<vmem>>) dst(%dma_wait3A_270 : memref<1280xf32, #tpu.memory_space<hbm>>)
      tpu.yield
    }) : () -> ()
    %add3A_231 = arith.constant 2560 : i32
    %add3A_232 = arith.addi %mul3A_2, %add3A_231 : i32
    "tpu.region"() ({
      %run_scoped3A = tpu.sem_alloc : memref<!tpu.dma_semaphore, #tpu.memory_space<semaphore_mem>>
      %dma_start3A_267 = tpu.memref_slice %arg18[%add3A_232] : memref<160000xf32, #tpu.memory_space<vmem_shared>> -> memref<1280xf32, #tpu.memory_space<vmem_shared>>
      %dma_start3A_268 = tpu.memref_slice %arg18[%add3A_232] : memref<160000xf32, #tpu.memory_space<vmem_shared>> -> memref<1280xf32, #tpu.memory_space<vmem_shared>>
      tpu.enqueue_dma source(%dma_start3A_268 : memref<1280xf32, #tpu.memory_space<vmem_shared>>) target(%arg16 : memref<1280xf32, #tpu.memory_space<vmem>>) target_semaphore(%run_scoped3A : memref<!tpu.dma_semaphore, #tpu.memory_space<semaphore_mem>>)
      %dma_wait3A_269 = tpu.memref_slice %arg18[%add3A_232] : memref<160000xf32, #tpu.memory_space<vmem_shared>> -> memref<1280xf32, #tpu.memory_space<vmem_shared>>
      %dma_wait3A_270 = tpu.memref_slice %arg18[%add3A_232] : memref<160000xf32, #tpu.memory_space<vmem_shared>> -> memref<1280xf32, #tpu.memory_space<vmem_shared>>
      tpu.wait_dma2 semaphore(%run_scoped3A : memref<!tpu.dma_semaphore, #tpu.memory_space<semaphore_mem>>) src(%dma_wait3A_270 : memref<1280xf32, #tpu.memory_space<vmem_shared>>) dst(%arg16 : memref<1280xf32, #tpu.memory_space<vmem>>)
      tpu.yield
    }) : () -> ()
    %mul3A_233 = arith.constant 10000 : i32
    %mul3A_234 = arith.muli %add3A, %mul3A_233 : i32
    %add3A_235 = arith.constant 2560 : i32
    %add3A_236 = arith.addi %mul3A_234, %add3A_235 : i32
    "tpu.region"() ({
      %run_scoped3A = tpu.sem_alloc : memref<!tpu.dma_semaphore, #tpu.memory_space<semaphore_mem>>
      %dma_start3A_267 = tpu.memref_slice %arg5[%add3A_236] : memref<320000xf32, #tpu.memory_space<hbm>> -> memref<1280xf32, #tpu.memory_space<hbm>>
      %dma_start3A_268 = tpu.memref_slice %arg5[%add3A_236] : memref<320000xf32, #tpu.memory_space<hbm>> -> memref<1280xf32, #tpu.memory_space<hbm>>
      tpu.enqueue_dma source(%arg16 : memref<1280xf32, #tpu.memory_space<vmem>>) target(%dma_start3A_268 : memref<1280xf32, #tpu.memory_space<hbm>>) target_semaphore(%run_scoped3A : memref<!tpu.dma_semaphore, #tpu.memory_space<semaphore_mem>>)
      %dma_wait3A_269 = tpu.memref_slice %arg5[%add3A_236] : memref<320000xf32, #tpu.memory_space<hbm>> -> memref<1280xf32, #tpu.memory_space<hbm>>
      %dma_wait3A_270 = tpu.memref_slice %arg5[%add3A_236] : memref<320000xf32, #tpu.memory_space<hbm>> -> memref<1280xf32, #tpu.memory_space<hbm>>
      tpu.wait_dma2 semaphore(%run_scoped3A : memref<!tpu.dma_semaphore, #tpu.memory_space<semaphore_mem>>) src(%arg16 : memref<1280xf32, #tpu.memory_space<vmem>>) dst(%dma_wait3A_270 : memref<1280xf32, #tpu.memory_space<hbm>>)
      tpu.yield
    }) : () -> ()
    %add3A_237 = arith.constant 3840 : i32
    %add3A_238 = arith.addi %mul3A_2, %add3A_237 : i32
    "tpu.region"() ({
      %run_scoped3A = tpu.sem_alloc : memref<!tpu.dma_semaphore, #tpu.memory_space<semaphore_mem>>
      %dma_start3A_267 = tpu.memref_slice %arg18[%add3A_238] : memref<160000xf32, #tpu.memory_space<vmem_shared>> -> memref<1280xf32, #tpu.memory_space<vmem_shared>>
      %dma_start3A_268 = tpu.memref_slice %arg18[%add3A_238] : memref<160000xf32, #tpu.memory_space<vmem_shared>> -> memref<1280xf32, #tpu.memory_space<vmem_shared>>
      tpu.enqueue_dma source(%dma_start3A_268 : memref<1280xf32, #tpu.memory_space<vmem_shared>>) target(%arg16 : memref<1280xf32, #tpu.memory_space<vmem>>) target_semaphore(%run_scoped3A : memref<!tpu.dma_semaphore, #tpu.memory_space<semaphore_mem>>)
      %dma_wait3A_269 = tpu.memref_slice %arg18[%add3A_238] : memref<160000xf32, #tpu.memory_space<vmem_shared>> -> memref<1280xf32, #tpu.memory_space<vmem_shared>>
      %dma_wait3A_270 = tpu.memref_slice %arg18[%add3A_238] : memref<160000xf32, #tpu.memory_space<vmem_shared>> -> memref<1280xf32, #tpu.memory_space<vmem_shared>>
      tpu.wait_dma2 semaphore(%run_scoped3A : memref<!tpu.dma_semaphore, #tpu.memory_space<semaphore_mem>>) src(%dma_wait3A_270 : memref<1280xf32, #tpu.memory_space<vmem_shared>>) dst(%arg16 : memref<1280xf32, #tpu.memory_space<vmem>>)
      tpu.yield
    }) : () -> ()
    %mul3A_239 = arith.constant 10000 : i32
    %mul3A_240 = arith.muli %add3A, %mul3A_239 : i32
    %add3A_241 = arith.constant 3840 : i32
    %add3A_242 = arith.addi %mul3A_240, %add3A_241 : i32
    "tpu.region"() ({
      %run_scoped3A = tpu.sem_alloc : memref<!tpu.dma_semaphore, #tpu.memory_space<semaphore_mem>>
      %dma_start3A_267 = tpu.memref_slice %arg5[%add3A_242] : memref<320000xf32, #tpu.memory_space<hbm>> -> memref<1280xf32, #tpu.memory_space<hbm>>
      %dma_start3A_268 = tpu.memref_slice %arg5[%add3A_242] : memref<320000xf32, #tpu.memory_space<hbm>> -> memref<1280xf32, #tpu.memory_space<hbm>>
      tpu.enqueue_dma source(%arg16 : memref<1280xf32, #tpu.memory_space<vmem>>) target(%dma_start3A_268 : memref<1280xf32, #tpu.memory_space<hbm>>) target_semaphore(%run_scoped3A : memref<!tpu.dma_semaphore, #tpu.memory_space<semaphore_mem>>)
      %dma_wait3A_269 = tpu.memref_slice %arg5[%add3A_242] : memref<320000xf32, #tpu.memory_space<hbm>> -> memref<1280xf32, #tpu.memory_space<hbm>>
      %dma_wait3A_270 = tpu.memref_slice %arg5[%add3A_242] : memref<320000xf32, #tpu.memory_space<hbm>> -> memref<1280xf32, #tpu.memory_space<hbm>>
      tpu.wait_dma2 semaphore(%run_scoped3A : memref<!tpu.dma_semaphore, #tpu.memory_space<semaphore_mem>>) src(%arg16 : memref<1280xf32, #tpu.memory_space<vmem>>) dst(%dma_wait3A_270 : memref<1280xf32, #tpu.memory_space<hbm>>)
      tpu.yield
    }) : () -> ()
    %add3A_243 = arith.constant 5120 : i32
    %add3A_244 = arith.addi %mul3A_2, %add3A_243 : i32
    "tpu.region"() ({
      %run_scoped3A = tpu.sem_alloc : memref<!tpu.dma_semaphore, #tpu.memory_space<semaphore_mem>>
      %dma_start3A_267 = tpu.memref_slice %arg18[%add3A_244] : memref<160000xf32, #tpu.memory_space<vmem_shared>> -> memref<1280xf32, #tpu.memory_space<vmem_shared>>
      %dma_start3A_268 = tpu.memref_slice %arg18[%add3A_244] : memref<160000xf32, #tpu.memory_space<vmem_shared>> -> memref<1280xf32, #tpu.memory_space<vmem_shared>>
      tpu.enqueue_dma source(%dma_start3A_268 : memref<1280xf32, #tpu.memory_space<vmem_shared>>) target(%arg16 : memref<1280xf32, #tpu.memory_space<vmem>>) target_semaphore(%run_scoped3A : memref<!tpu.dma_semaphore, #tpu.memory_space<semaphore_mem>>)
      %dma_wait3A_269 = tpu.memref_slice %arg18[%add3A_244] : memref<160000xf32, #tpu.memory_space<vmem_shared>> -> memref<1280xf32, #tpu.memory_space<vmem_shared>>
      %dma_wait3A_270 = tpu.memref_slice %arg18[%add3A_244] : memref<160000xf32, #tpu.memory_space<vmem_shared>> -> memref<1280xf32, #tpu.memory_space<vmem_shared>>
      tpu.wait_dma2 semaphore(%run_scoped3A : memref<!tpu.dma_semaphore, #tpu.memory_space<semaphore_mem>>) src(%dma_wait3A_270 : memref<1280xf32, #tpu.memory_space<vmem_shared>>) dst(%arg16 : memref<1280xf32, #tpu.memory_space<vmem>>)
      tpu.yield
    }) : () -> ()
    %mul3A_245 = arith.constant 10000 : i32
    %mul3A_246 = arith.muli %add3A, %mul3A_245 : i32
    %add3A_247 = arith.constant 5120 : i32
    %add3A_248 = arith.addi %mul3A_246, %add3A_247 : i32
    "tpu.region"() ({
      %run_scoped3A = tpu.sem_alloc : memref<!tpu.dma_semaphore, #tpu.memory_space<semaphore_mem>>
      %dma_start3A_267 = tpu.memref_slice %arg5[%add3A_248] : memref<320000xf32, #tpu.memory_space<hbm>> -> memref<1280xf32, #tpu.memory_space<hbm>>
      %dma_start3A_268 = tpu.memref_slice %arg5[%add3A_248] : memref<320000xf32, #tpu.memory_space<hbm>> -> memref<1280xf32, #tpu.memory_space<hbm>>
      tpu.enqueue_dma source(%arg16 : memref<1280xf32, #tpu.memory_space<vmem>>) target(%dma_start3A_268 : memref<1280xf32, #tpu.memory_space<hbm>>) target_semaphore(%run_scoped3A : memref<!tpu.dma_semaphore, #tpu.memory_space<semaphore_mem>>)
      %dma_wait3A_269 = tpu.memref_slice %arg5[%add3A_248] : memref<320000xf32, #tpu.memory_space<hbm>> -> memref<1280xf32, #tpu.memory_space<hbm>>
      %dma_wait3A_270 = tpu.memref_slice %arg5[%add3A_248] : memref<320000xf32, #tpu.memory_space<hbm>> -> memref<1280xf32, #tpu.memory_space<hbm>>
      tpu.wait_dma2 semaphore(%run_scoped3A : memref<!tpu.dma_semaphore, #tpu.memory_space<semaphore_mem>>) src(%arg16 : memref<1280xf32, #tpu.memory_space<vmem>>) dst(%dma_wait3A_270 : memref<1280xf32, #tpu.memory_space<hbm>>)
      tpu.yield
    }) : () -> ()
    %add3A_249 = arith.constant 6400 : i32
    %add3A_250 = arith.addi %mul3A_2, %add3A_249 : i32
    "tpu.region"() ({
      %run_scoped3A = tpu.sem_alloc : memref<!tpu.dma_semaphore, #tpu.memory_space<semaphore_mem>>
      %dma_start3A_267 = tpu.memref_slice %arg18[%add3A_250] : memref<160000xf32, #tpu.memory_space<vmem_shared>> -> memref<1280xf32, #tpu.memory_space<vmem_shared>>
      %dma_start3A_268 = tpu.memref_slice %arg18[%add3A_250] : memref<160000xf32, #tpu.memory_space<vmem_shared>> -> memref<1280xf32, #tpu.memory_space<vmem_shared>>
      tpu.enqueue_dma source(%dma_start3A_268 : memref<1280xf32, #tpu.memory_space<vmem_shared>>) target(%arg16 : memref<1280xf32, #tpu.memory_space<vmem>>) target_semaphore(%run_scoped3A : memref<!tpu.dma_semaphore, #tpu.memory_space<semaphore_mem>>)
      %dma_wait3A_269 = tpu.memref_slice %arg18[%add3A_250] : memref<160000xf32, #tpu.memory_space<vmem_shared>> -> memref<1280xf32, #tpu.memory_space<vmem_shared>>
      %dma_wait3A_270 = tpu.memref_slice %arg18[%add3A_250] : memref<160000xf32, #tpu.memory_space<vmem_shared>> -> memref<1280xf32, #tpu.memory_space<vmem_shared>>
      tpu.wait_dma2 semaphore(%run_scoped3A : memref<!tpu.dma_semaphore, #tpu.memory_space<semaphore_mem>>) src(%dma_wait3A_270 : memref<1280xf32, #tpu.memory_space<vmem_shared>>) dst(%arg16 : memref<1280xf32, #tpu.memory_space<vmem>>)
      tpu.yield
    }) : () -> ()
    %mul3A_251 = arith.constant 10000 : i32
    %mul3A_252 = arith.muli %add3A, %mul3A_251 : i32
    %add3A_253 = arith.constant 6400 : i32
    %add3A_254 = arith.addi %mul3A_252, %add3A_253 : i32
    "tpu.region"() ({
      %run_scoped3A = tpu.sem_alloc : memref<!tpu.dma_semaphore, #tpu.memory_space<semaphore_mem>>
      %dma_start3A_267 = tpu.memref_slice %arg5[%add3A_254] : memref<320000xf32, #tpu.memory_space<hbm>> -> memref<1280xf32, #tpu.memory_space<hbm>>
      %dma_start3A_268 = tpu.memref_slice %arg5[%add3A_254] : memref<320000xf32, #tpu.memory_space<hbm>> -> memref<1280xf32, #tpu.memory_space<hbm>>
      tpu.enqueue_dma source(%arg16 : memref<1280xf32, #tpu.memory_space<vmem>>) target(%dma_start3A_268 : memref<1280xf32, #tpu.memory_space<hbm>>) target_semaphore(%run_scoped3A : memref<!tpu.dma_semaphore, #tpu.memory_space<semaphore_mem>>)
      %dma_wait3A_269 = tpu.memref_slice %arg5[%add3A_254] : memref<320000xf32, #tpu.memory_space<hbm>> -> memref<1280xf32, #tpu.memory_space<hbm>>
      %dma_wait3A_270 = tpu.memref_slice %arg5[%add3A_254] : memref<320000xf32, #tpu.memory_space<hbm>> -> memref<1280xf32, #tpu.memory_space<hbm>>
      tpu.wait_dma2 semaphore(%run_scoped3A : memref<!tpu.dma_semaphore, #tpu.memory_space<semaphore_mem>>) src(%arg16 : memref<1280xf32, #tpu.memory_space<vmem>>) dst(%dma_wait3A_270 : memref<1280xf32, #tpu.memory_space<hbm>>)
      tpu.yield
    }) : () -> ()
    %add3A_255 = arith.constant 7680 : i32
    %add3A_256 = arith.addi %mul3A_2, %add3A_255 : i32
    "tpu.region"() ({
      %run_scoped3A = tpu.sem_alloc : memref<!tpu.dma_semaphore, #tpu.memory_space<semaphore_mem>>
      %dma_start3A_267 = tpu.memref_slice %arg18[%add3A_256] : memref<160000xf32, #tpu.memory_space<vmem_shared>> -> memref<1280xf32, #tpu.memory_space<vmem_shared>>
      %dma_start3A_268 = tpu.memref_slice %arg18[%add3A_256] : memref<160000xf32, #tpu.memory_space<vmem_shared>> -> memref<1280xf32, #tpu.memory_space<vmem_shared>>
      tpu.enqueue_dma source(%dma_start3A_268 : memref<1280xf32, #tpu.memory_space<vmem_shared>>) target(%arg16 : memref<1280xf32, #tpu.memory_space<vmem>>) target_semaphore(%run_scoped3A : memref<!tpu.dma_semaphore, #tpu.memory_space<semaphore_mem>>)
      %dma_wait3A_269 = tpu.memref_slice %arg18[%add3A_256] : memref<160000xf32, #tpu.memory_space<vmem_shared>> -> memref<1280xf32, #tpu.memory_space<vmem_shared>>
      %dma_wait3A_270 = tpu.memref_slice %arg18[%add3A_256] : memref<160000xf32, #tpu.memory_space<vmem_shared>> -> memref<1280xf32, #tpu.memory_space<vmem_shared>>
      tpu.wait_dma2 semaphore(%run_scoped3A : memref<!tpu.dma_semaphore, #tpu.memory_space<semaphore_mem>>) src(%dma_wait3A_270 : memref<1280xf32, #tpu.memory_space<vmem_shared>>) dst(%arg16 : memref<1280xf32, #tpu.memory_space<vmem>>)
      tpu.yield
    }) : () -> ()
    %mul3A_257 = arith.constant 10000 : i32
    %mul3A_258 = arith.muli %add3A, %mul3A_257 : i32
    %add3A_259 = arith.constant 7680 : i32
    %add3A_260 = arith.addi %mul3A_258, %add3A_259 : i32
    "tpu.region"() ({
      %run_scoped3A = tpu.sem_alloc : memref<!tpu.dma_semaphore, #tpu.memory_space<semaphore_mem>>
      %dma_start3A_267 = tpu.memref_slice %arg5[%add3A_260] : memref<320000xf32, #tpu.memory_space<hbm>> -> memref<1280xf32, #tpu.memory_space<hbm>>
      %dma_start3A_268 = tpu.memref_slice %arg5[%add3A_260] : memref<320000xf32, #tpu.memory_space<hbm>> -> memref<1280xf32, #tpu.memory_space<hbm>>
      tpu.enqueue_dma source(%arg16 : memref<1280xf32, #tpu.memory_space<vmem>>) target(%dma_start3A_268 : memref<1280xf32, #tpu.memory_space<hbm>>) target_semaphore(%run_scoped3A : memref<!tpu.dma_semaphore, #tpu.memory_space<semaphore_mem>>)
      %dma_wait3A_269 = tpu.memref_slice %arg5[%add3A_260] : memref<320000xf32, #tpu.memory_space<hbm>> -> memref<1280xf32, #tpu.memory_space<hbm>>
      %dma_wait3A_270 = tpu.memref_slice %arg5[%add3A_260] : memref<320000xf32, #tpu.memory_space<hbm>> -> memref<1280xf32, #tpu.memory_space<hbm>>
      tpu.wait_dma2 semaphore(%run_scoped3A : memref<!tpu.dma_semaphore, #tpu.memory_space<semaphore_mem>>) src(%arg16 : memref<1280xf32, #tpu.memory_space<vmem>>) dst(%dma_wait3A_270 : memref<1280xf32, #tpu.memory_space<hbm>>)
      tpu.yield
    }) : () -> ()
    %add3A_261 = arith.constant 8960 : i32
    %add3A_262 = arith.addi %mul3A_2, %add3A_261 : i32
    "tpu.region"() ({
      %run_scoped3A = tpu.sem_alloc : memref<!tpu.dma_semaphore, #tpu.memory_space<semaphore_mem>>
      %dma_start3A_267 = arith.constant 0 : i32
      %dma_start3A_268 = tpu.memref_slice %arg16[%dma_start3A_267] : memref<1280xf32, #tpu.memory_space<vmem>> -> memref<1040xf32, #tpu.memory_space<vmem>>
      %dma_start3A_269 = tpu.memref_slice %arg18[%add3A_262] : memref<160000xf32, #tpu.memory_space<vmem_shared>> -> memref<1040xf32, #tpu.memory_space<vmem_shared>>
      %dma_start3A_270 = arith.constant 0 : i32
      %dma_start3A_271 = tpu.memref_slice %arg16[%dma_start3A_270] : memref<1280xf32, #tpu.memory_space<vmem>> -> memref<1040xf32, #tpu.memory_space<vmem>>
      %dma_start3A_272 = tpu.memref_slice %arg18[%add3A_262] : memref<160000xf32, #tpu.memory_space<vmem_shared>> -> memref<1040xf32, #tpu.memory_space<vmem_shared>>
      tpu.enqueue_dma source(%dma_start3A_272 : memref<1040xf32, #tpu.memory_space<vmem_shared>>) target(%dma_start3A_271 : memref<1040xf32, #tpu.memory_space<vmem>>) target_semaphore(%run_scoped3A : memref<!tpu.dma_semaphore, #tpu.memory_space<semaphore_mem>>)
      %dma_wait3A_273 = arith.constant 0 : i32
      %dma_wait3A_274 = tpu.memref_slice %arg16[%dma_wait3A_273] : memref<1280xf32, #tpu.memory_space<vmem>> -> memref<1040xf32, #tpu.memory_space<vmem>>
      %dma_wait3A_275 = tpu.memref_slice %arg18[%add3A_262] : memref<160000xf32, #tpu.memory_space<vmem_shared>> -> memref<1040xf32, #tpu.memory_space<vmem_shared>>
      %dma_wait3A_276 = arith.constant 0 : i32
      %dma_wait3A_277 = tpu.memref_slice %arg16[%dma_wait3A_276] : memref<1280xf32, #tpu.memory_space<vmem>> -> memref<1040xf32, #tpu.memory_space<vmem>>
      %dma_wait3A_278 = tpu.memref_slice %arg18[%add3A_262] : memref<160000xf32, #tpu.memory_space<vmem_shared>> -> memref<1040xf32, #tpu.memory_space<vmem_shared>>
      tpu.wait_dma2 semaphore(%run_scoped3A : memref<!tpu.dma_semaphore, #tpu.memory_space<semaphore_mem>>) src(%dma_wait3A_278 : memref<1040xf32, #tpu.memory_space<vmem_shared>>) dst(%dma_wait3A_277 : memref<1040xf32, #tpu.memory_space<vmem>>)
      tpu.yield
    }) : () -> ()
    %mul3A_263 = arith.constant 10000 : i32
    %mul3A_264 = arith.muli %add3A, %mul3A_263 : i32
    %add3A_265 = arith.constant 8960 : i32
    %add3A_266 = arith.addi %mul3A_264, %add3A_265 : i32
    "tpu.region"() ({
      %run_scoped3A = tpu.sem_alloc : memref<!tpu.dma_semaphore, #tpu.memory_space<semaphore_mem>>
      %dma_start3A_267 = arith.constant 0 : i32
      %dma_start3A_268 = tpu.memref_slice %arg16[%dma_start3A_267] : memref<1280xf32, #tpu.memory_space<vmem>> -> memref<1040xf32, #tpu.memory_space<vmem>>
      %dma_start3A_269 = tpu.memref_slice %arg5[%add3A_266] : memref<320000xf32, #tpu.memory_space<hbm>> -> memref<1040xf32, #tpu.memory_space<hbm>>
      %dma_start3A_270 = tpu.memref_slice %arg5[%add3A_266] : memref<320000xf32, #tpu.memory_space<hbm>> -> memref<1040xf32, #tpu.memory_space<hbm>>
      %dma_start3A_271 = arith.constant 0 : i32
      %dma_start3A_272 = tpu.memref_slice %arg16[%dma_start3A_271] : memref<1280xf32, #tpu.memory_space<vmem>> -> memref<1040xf32, #tpu.memory_space<vmem>>
      tpu.enqueue_dma source(%dma_start3A_272 : memref<1040xf32, #tpu.memory_space<vmem>>) target(%dma_start3A_270 : memref<1040xf32, #tpu.memory_space<hbm>>) target_semaphore(%run_scoped3A : memref<!tpu.dma_semaphore, #tpu.memory_space<semaphore_mem>>)
      %dma_wait3A_273 = arith.constant 0 : i32
      %dma_wait3A_274 = tpu.memref_slice %arg16[%dma_wait3A_273] : memref<1280xf32, #tpu.memory_space<vmem>> -> memref<1040xf32, #tpu.memory_space<vmem>>
      %dma_wait3A_275 = tpu.memref_slice %arg5[%add3A_266] : memref<320000xf32, #tpu.memory_space<hbm>> -> memref<1040xf32, #tpu.memory_space<hbm>>
      %dma_wait3A_276 = tpu.memref_slice %arg5[%add3A_266] : memref<320000xf32, #tpu.memory_space<hbm>> -> memref<1040xf32, #tpu.memory_space<hbm>>
      %dma_wait3A_277 = arith.constant 0 : i32
      %dma_wait3A_278 = tpu.memref_slice %arg16[%dma_wait3A_277] : memref<1280xf32, #tpu.memory_space<vmem>> -> memref<1040xf32, #tpu.memory_space<vmem>>
      tpu.wait_dma2 semaphore(%run_scoped3A : memref<!tpu.dma_semaphore, #tpu.memory_space<semaphore_mem>>) src(%dma_wait3A_278 : memref<1040xf32, #tpu.memory_space<vmem>>) dst(%dma_wait3A_276 : memref<1040xf32, #tpu.memory_space<hbm>>)
      tpu.yield
    }) : () -> ()
    return
  }
}

module attributes {stable_mosaic.version = 14 : i64} {
  func.func @_tc_matmul1_kernel(%arg0: i32, %arg1: memref<1000x128xf32, #tpu.memory_space<vmem>>, %arg2: memref<128x256xf32, #tpu.memory_space<vmem>>, %arg3: memref<1000x128xf32, #tpu.memory_space<vmem>>) attributes {dimension_semantics = [#tpu.dimension_semantics<arbitrary>], iteration_bounds = array<i64: 10>, scalar_prefetch = 0 : i64, scratch_operands = 0 : i64, tpu.core_type = #tpu.core_type<tc>, window_params = [{transform_indices = @transform_0, window_bounds = array<i64: 1000, 128>}, {pipeline_mode = #tpu.pipeline_mode<synchronous>, transform_indices = @transform_1, window_bounds = array<i64: 128, 256>}, {transform_indices = @transform_2, window_bounds = array<i64: 1000, 128>}]} {
    %get3A = arith.constant 0 : index
    %get3A_0 = arith.constant 0 : index
    %get3A_1 = vector.load %arg1[%get3A, %get3A_0] : memref<1000x128xf32, #tpu.memory_space<vmem>>, vector<1000x128xf32>
    %get3A_2 = arith.constant 0 : index
    %get3A_3 = arith.constant 0 : index
    %get3A_4 = vector.load %arg2[%get3A_2, %get3A_3] : memref<128x256xf32, #tpu.memory_space<vmem>>, vector<128x256xf32>
    %slice3A = vector.extract_strided_slice %get3A_4 {offsets = [0, 0], sizes = [128, 128], strides = [1, 1]} : vector<128x256xf32> to vector<128x128xf32>
    %dot_general3A = arith.constant dense<0.000000e+00> : vector<1000x128xf32>
    %dot_general3A_5 = tpu.matmul %get3A_1, %slice3A, %dot_general3A {dimension_numbers = #tpu.dot_dimension_numbers<[1], [1], [0], [0], [0, 0, 1, 0], [], []>, transpose_lhs_hint = false} : vector<1000x128xf32>, vector<128x128xf32>, vector<1000x128xf32> -> vector<1000x128xf32>
    %swap3A = arith.constant 0 : index
    %swap3A_6 = arith.constant 0 : index
    %swap3A_7 = vector.load %arg3[%swap3A, %swap3A_6] : memref<1000x128xf32, #tpu.memory_space<vmem>>, vector<1000x128xf32>
    tpu.vector_store %arg3[%swap3A, %swap3A_6], %dot_general3A_5 {strides = array<i32>} : memref<1000x128xf32, #tpu.memory_space<vmem>>, vector<1000x128xf32>,
    return
  }
  func.func @transform_0(%arg0: i32) -> (i32, i32) {
    %c0_i32 = arith.constant 0 : i32
    %c0_i32_0 = arith.constant 0 : i32
    return %arg0, %c0_i32 : i32, i32
  }
  func.func @transform_1(%arg0: i32) -> (i32, i32) {
    %c0_i32 = arith.constant 0 : i32
    %c0_i32_0 = arith.constant 0 : i32
    %c0_i32_1 = arith.constant 0 : i32
    return %c0_i32, %c0_i32_0 : i32, i32
  }
  func.func @transform_2(%arg0: i32) -> (i32, i32) {
    %c0_i32 = arith.constant 0 : i32
    %c0_i32_0 = arith.constant 0 : i32
    return %arg0, %c0_i32 : i32, i32
  }
}

module attributes {stable_mosaic.version = 14 : i64} {
  func.func @_tc_combine_kernel(%arg0: i32, %arg1: memref<1000x128xf32, #tpu.memory_space<vmem>>, %arg2: memref<2x1000x128xf32, #tpu.memory_space<vmem>>, %arg3: memref<1000x32xf32, #tpu.memory_space<vmem>>, %arg4: memref<128x256xf32, #tpu.memory_space<vmem>>, %arg5: memref<1000x128xf32, #tpu.memory_space<vmem>>) attributes {dimension_semantics = [#tpu.dimension_semantics<arbitrary>], iteration_bounds = array<i64: 10>, scalar_prefetch = 0 : i64, scratch_operands = 0 : i64, tpu.core_type = #tpu.core_type<tc>, window_params = [{transform_indices = @transform_0, window_bounds = array<i64: 1000, 128>}, {transform_indices = @transform_1, window_bounds = array<i64: 2, 1000, 128>}, {transform_indices = @transform_2, window_bounds = array<i64: 1000, 32>}, {pipeline_mode = #tpu.pipeline_mode<synchronous>, transform_indices = @transform_3, window_bounds = array<i64: 128, 256>}, {transform_indices = @transform_4, window_bounds = array<i64: 1000, 128>}]} {
    %get3A = arith.constant 0 : index
    %get3A_0 = arith.constant 0 : index
    %get3A_1 = vector.load %arg3[%get3A, %get3A_0] : memref<1000x32xf32, #tpu.memory_space<vmem>>, vector<1000x32xf32>
    %reduce_sum3A = arith.constant dense<0.000000e+00> : vector<1000xf32>
    %reduce_sum3A_2 = vector.multi_reduction <add>, %get3A_1, %reduce_sum3A [1] : vector<1000x32xf32> to vector<1000xf32>
    %max3A = arith.constant 1.000000e+00 : f32
    %max3A_3 = vector.broadcast %max3A : f32 to vector<1000xf32>
    %max3A_4 = arith.maximumf %reduce_sum3A_2, %max3A_3 : vector<1000xf32>
    %get3A_5 = arith.constant 0 : index
    %get3A_6 = arith.constant 0 : index
    %get3A_7 = arith.constant 0 : index
    %get3A_8 = vector.load %arg2[%get3A_5, %get3A_6, %get3A_7] : memref<2x1000x128xf32, #tpu.memory_space<vmem>>, vector<1x1000x128xf32>
    %get3A_9 = vector.shape_cast %get3A_8 : vector<1x1000x128xf32> to vector<1000x128xf32>
    %get3A_10 = arith.constant 1 : index
    %get3A_11 = arith.constant 0 : index
    %get3A_12 = arith.constant 0 : index
    %get3A_13 = vector.load %arg2[%get3A_10, %get3A_11, %get3A_12] : memref<2x1000x128xf32, #tpu.memory_space<vmem>>, vector<1x1000x128xf32>
    %get3A_14 = vector.shape_cast %get3A_13 : vector<1x1000x128xf32> to vector<1000x128xf32>
    %add3A = arith.addf %get3A_9, %get3A_14 : vector<1000x128xf32>
    %broadcast_in_dim3A = vector.shape_cast %max3A_4 : vector<1000xf32> to vector<1000x1xf32>
    %div3A = vector.broadcast %broadcast_in_dim3A : vector<1000x1xf32> to vector<1000x128xf32>
    %div3A_15 = arith.divf %add3A, %div3A : vector<1000x128xf32>
    %get3A_16 = arith.constant 0 : index
    %get3A_17 = arith.constant 0 : index
    %get3A_18 = vector.load %arg1[%get3A_16, %get3A_17] : memref<1000x128xf32, #tpu.memory_space<vmem>>, vector<1000x128xf32>
    %get3A_19 = arith.constant 0 : index
    %get3A_20 = arith.constant 0 : index
    %get3A_21 = vector.load %arg4[%get3A_19, %get3A_20] : memref<128x256xf32, #tpu.memory_space<vmem>>, vector<128x256xf32>
    %slice3A = vector.extract_strided_slice %get3A_21 {offsets = [0, 128], sizes = [128, 128], strides = [1, 1]} : vector<128x256xf32> to vector<128x128xf32>
    %dot_general3A = arith.constant dense<0.000000e+00> : vector<1000x128xf32>
    %dot_general3A_22 = tpu.matmul %div3A_15, %slice3A, %dot_general3A {dimension_numbers = #tpu.dot_dimension_numbers<[1], [1], [0], [0], [0, 0, 1, 0], [], []>, transpose_lhs_hint = false} : vector<1000x128xf32>, vector<128x128xf32>, vector<1000x128xf32> -> vector<1000x128xf32>
    %add3A_23 = arith.addf %get3A_18, %dot_general3A_22 : vector<1000x128xf32>
    %swap3A = arith.constant 0 : index
    %swap3A_24 = arith.constant 0 : index
    %swap3A_25 = vector.load %arg5[%swap3A, %swap3A_24] : memref<1000x128xf32, #tpu.memory_space<vmem>>, vector<1000x128xf32>
    tpu.vector_store %arg5[%swap3A, %swap3A_24], %add3A_23 {strides = array<i32>} : memref<1000x128xf32, #tpu.memory_space<vmem>>, vector<1000x128xf32>,
    return
  }
  func.func @transform_0(%arg0: i32) -> (i32, i32) {
    %c0_i32 = arith.constant 0 : i32
    %c0_i32_0 = arith.constant 0 : i32
    return %arg0, %c0_i32 : i32, i32
  }
  func.func @transform_1(%arg0: i32) -> (i32, i32, i32) {
    %c0_i32 = arith.constant 0 : i32
    %c0_i32_0 = arith.constant 0 : i32
    %c0_i32_1 = arith.constant 0 : i32
    return %c0_i32, %arg0, %c0_i32_0 : i32, i32, i32
  }
  func.func @transform_2(%arg0: i32) -> (i32, i32) {
    %c0_i32 = arith.constant 0 : i32
    %c0_i32_0 = arith.constant 0 : i32
    return %arg0, %c0_i32 : i32, i32
  }
  func.func @transform_3(%arg0: i32) -> (i32, i32) {
    %c0_i32 = arith.constant 0 : i32
    %c0_i32_0 = arith.constant 0 : i32
    %c0_i32_1 = arith.constant 0 : i32
    return %c0_i32, %c0_i32_0 : i32, i32
  }
  func.func @transform_4(%arg0: i32) -> (i32, i32) {
    %c0_i32 = arith.constant 0 : i32
    %c0_i32_0 = arith.constant 0 : i32
    return %arg0, %c0_i32 : i32, i32
  }
}

</mosaic_0001>

<sc_bundles>
// kernel: kernel.5.cloned.1.call-start
scs
__scs_entry_jumppad:
0x0: {  	(pc) =	sbr.rel $0x88, $3  }
0x1: {  	(tag) =	ssettag $0x0;
	lr =	simm.s32 $0x1  }
0x2: {  	[smem:$0x3F9E] =	sst lr;
	_ =	strace $0xD0000000  }
0x3: {  	_ = 	snop  }
0x4: {  	_ = 	snop  }
0x5: {  	_ = 	snop  }
0x6: {  	_ = 	snop  }
0x7: {  	_ = 	snop  }
__scs_overlays_trampoline_lowered:
0x8: {  	[smem:$0x3FAD] =	sst s0  }
0x9: {  	[smem:$0x3FAE] =	sst s1  }
0xa: {  	[smem:$0x3FAF] =	sst s2  }
0xb: {  	[smem:$0x3FB0] =	sst s3  }
0xc: {  	[smem:$0x3FB1] =	sst s4  }
0xd: {  	[smem:$0x3FB2] =	sst s5  }
0xe: {  	[smem:$0x3FB3] =	sst s6  }
0xf: {  	[smem:$0x3FB4] =	sst s7  }
0x10: {  	[smem:$0x3FB5] =	sst s8  }
0x11: {  	[smem:$0x3FB6] =	sst s9;
	s0 =	simm.s32 @!p0 $0x0  }
0x12: {  	s1 =	sld [smem:$0x3F9C];
	s0 =	simm.s32 @p0 $0x1  }
0x13: {  	[smem:$0x3FB7] =	sst s0;
	s0 =	simm.s32 @!p1 $0x0  }
0x14: {  	s2 =	sld [smem:$0x3F9B];
	s0 =	simm.s32 @p1 $0x1  }
0x15: {  	[smem:$0x3FB8] =	sst s0;
	s0 =	simm.s32 @!p2 $0x0  }
0x16: {  	s3 =	sld [smem:$0x3FDB];
	s0 =	simm.s32 @p2 $0x1  }
0x17: {  	s4 =	simm.s32 $0x1BF5;
	[smem:$0x3FBA] =	sst s0  }
0x18: {  	s0 =	sld [smem:$0x3F9D];
	_ =	swait.ge [sflag:s4], $0x0  }
0x19: {  	s7 =	sld [smem:$0x3F9E]  }
0x1a: {  	s8 =	sadd.s32 $0xFFFFE003, lr  }
0x1b: {  	s9 =	sadd.s32 $0xFFFFFEF7, lr;
	s5 =	simm.s32 $0xFFFFFFFF;
	p2 =	slt.u32 s8, $0xFFFFF086  }
0x1c: {  	p1 =	slt.u32 s9, $0xF7A;
	s5 =	simm.s32 @!p2 $0x0  }
0x1d: {  	s5 =	simm.s32 @p1 $0x1;
	p0 =	seq.s32 s7, s2  }
0x1e: {  	s7 =	smul.u32 @!p0 $0xF7A, s2;
	p2 =	seq.s32 @!p0 s5, $0x0  }
0x1f: {  	s9 =	smul.u32 $0xF7A, s1;
	s8 =	simm.s32 @!p0 $0x1BF5;
	p2 =	por !p2, p0  }
0x20: {  	[sflag:s8] =	ssyncset.s32 @!p0 $0xFFFFF086;
	s6 =	sadd.s32 @!p0 s3, s7;
	s7 =	simm.s32 @!p0 $0x108  }
0x21: {  	s3 =	sadd.s32 s3, s9;
	s6 =	sadd.s32 @!p0 $0x88, s6;
	s7 =	simm.s32 @p2 $0x1082  }
0x22: {  	[simem:s7], [sflag:s8] =	dma.local @!p0 [hbm:s6], $0xF7A  }
0x23: {  	s9 =	sor.u32 $0xD0000000, s2;
	s6 =	simm.s32 $0x108;
	_ =	swait.ge @!p0 [sflag:s8], $0x0  }
0x24: {  	s3 =	sadd.s32 $0x88, s3;
	s6 =	simm.s32 @!p1 $0x1082;
	[sflag:s4] =	ssyncset.s32 $0xFFFFF086  }
0x25: {  	[simem:s6], [sflag:s4] =	dma.local [hbm:s3], $0xF7A  }
0x26: {  	[smem:$0x3F9E] =	sst s1;
	(tag) =	ssettag s2;
	_ =	strace s9  }
0x27: {  	s1 =	sld [smem:$0x3FAE]  }
0x28: {  	s2 =	sld [smem:$0x3FAF]  }
0x29: {  	s4 =	sld [smem:$0x3FB1]  }
0x2a: {  	p0 =	seq.s32 s5, $0x0;
	s5 =	sld [smem:$0x3FB2]  }
0x2b: {  	s6 =	sld [smem:$0x3FB3]  }
0x2c: {  	s7 =	sld [smem:$0x3FB4]  }
0x2d: {  	s3 =	simm.s32 $0x108;
	s8 =	sld [smem:$0x3FB5]  }
0x2e: {  	s3 =	simm.s32 @!p0 $0x1082;
	s9 =	sld [smem:$0x3FB6]  }
0x2f: {  	lr =	sadd.s32 s0, s3;
	s0 =	sld [smem:$0x3FAD]  }
0x30: {  	s3 =	sld [smem:$0x3FB0]  }
0x31: {  	[smem:$0x3FB9] =	sst s10  }
0x32: {  	s10 =	sld [smem:$0x3FB7];
	_ =	sdelay $0x3  }
0x33: {  	p0 =	seq.s32 s10, $0x1;
	s10 =	sld [smem:$0x3FB9];
	_ =	sdelay $0x3  }
0x34: {  	[smem:$0x3FB9] =	sst s10  }
0x35: {  	s10 =	sld [smem:$0x3FB8];
	_ =	sdelay $0x3  }
0x36: {  	p1 =	seq.s32 s10, $0x1;
	s10 =	sld [smem:$0x3FB9];
	_ =	sdelay $0x3  }
0x37: {  	[smem:$0x3FB9] =	sst s10  }
0x38: {  	s10 =	sld [smem:$0x3FBA]  }
0x39: {  	_ = 	snop;
	(pc) =	sbr.ind lr, $3  }
0x3a: {  	_ = 	snop  }
0x3b: {  	_ = 	snop  }
0x3c: {  	p2 =	seq.s32 s10, $0x1;
	s10 =	sld [smem:$0x3FB9]  }
0x3d: {  	_ =	shalt  }
0x3e: {  	_ =	shalt  }
0x3f: {  	_ =	shalt  }
0x40: {  	_ =	shalt  }
0x41: {  	_ =	shalt  }
0x42: {  	_ =	shalt  }
0x43: {  	_ =	shalt  }
0x44: {  	_ =	shalt  }
0x45: {  	_ =	shalt  }
0x46: {  	_ =	shalt  }
0x47: {  	_ =	shalt  }
0x48: {  	_ =	shalt  }
0x49: {  	_ =	shalt  }
0x4a: {  	_ =	shalt  }
0x4b: {  	_ =	shalt  }
0x4c: {  	_ =	shalt  }
0x4d: {  	_ =	shalt  }
0x4e: {  	_ =	shalt  }
0x4f: {  	_ =	shalt  }
0x50: {  	_ =	shalt  }
0x51: {  	_ =	shalt  }
0x52: {  	_ =	shalt  }
0x53: {  	_ =	shalt  }
0x54: {  	_ =	shalt  }
0x55: {  	_ =	shalt  }
0x56: {  	_ =	shalt  }
0x57: {  	_ =	shalt  }
0x58: {  	_ =	shalt  }
0x59: {  	_ =	shalt  }
0x5a: {  	_ =	shalt  }
0x5b: {  	_ =	shalt  }
0x5c: {  	_ =	shalt  }
0x5d: {  	_ =	shalt  }
0x5e: {  	_ =	shalt  }
0x5f: {  	_ =	shalt  }
0x60: {  	_ =	shalt  }
0x61: {  	_ =	shalt  }
0x62: {  	_ =	shalt  }
0x63: {  	_ =	shalt  }
0x64: {  	_ =	shalt  }
0x65: {  	_ =	shalt  }
0x66: {  	_ =	shalt  }
0x67: {  	_ =	shalt  }
0x68: {  	_ =	shalt  }
0x69: {  	_ =	shalt  }
0x6a: {  	_ =	shalt  }
0x6b: {  	_ =	shalt  }
0x6c: {  	_ =	shalt  }
0x6d: {  	_ =	shalt  }
0x6e: {  	_ =	shalt  }
0x6f: {  	_ =	shalt  }
0x70: {  	_ =	shalt  }
0x71: {  	_ =	shalt  }
0x72: {  	_ =	shalt  }
0x73: {  	_ =	shalt  }
0x74: {  	_ =	shalt  }
0x75: {  	_ =	shalt  }
0x76: {  	_ =	shalt  }
0x77: {  	_ =	shalt  }
0x78: {  	_ =	shalt  }
0x79: {  	_ =	shalt  }
0x7a: {  	_ =	shalt  }
0x7b: {  	_ =	shalt  }
0x7c: {  	_ =	shalt  }
0x7d: {  	_ =	shalt  }
0x7e: {  	_ =	shalt  }
0x7f: {  	_ =	shalt  }
0x80: {  	_ =	shalt  }
0x81: {  	_ =	shalt  }
0x82: {  	_ =	shalt  }
0x83: {  	_ =	shalt  }
0x84: {  	_ =	shalt  }
0x85: {  	_ =	shalt  }
0x86: {  	_ =	shalt  }
0x87: {  	_ =	shalt  }
.Lfunc_end0:
.L_simem_size_0:
called_computation_lowered:
.L_overlay_start_0:
0x88: {  	s2 =	sld [smem:$0x3FD9]  }
0x89: {  	s3 =	sld [smem:$0x3FFE];
	_ =	sdelay $0x1  }
0x8a: {  	s1 =	srdreg.scid  }
0x8b: {  	s0 =	sand.u32 $0x1, s1  }
0x8c: {  	s17 =	sshll.u32 s0, $0xA;
	s2 =	sadd.s32 s3, s2  }
0x8d: {  	s2 =	sadd.s32 s2, s17  }
0x8e: {  	[smem:$0x3FC5] =	sst s2  }
0x8f: {  	_ = 	snop  }
0x90: {  	s2 =	sld [smem:$0x3FC9]  }
0x91: {  	s18 =	sld [smem:$0x3FD0];
	(tm) =	ssettm $0x1  }
0x92: {  	s4 =	sld [smem:$0x3FFB];
	_ =	sdelay $0x3  }
0x93: {  	_ =	strace s4  }
0x94: {  	s4 =	sld [smem:$0x3FFC];
	_ =	sdelay $0x3  }
0x95: {  	_ =	strace s4  }
0x96: {  	s4 =	sld [smem:$0x3FFD];
	_ =	sdelay $0x3  }
0x97: {  	_ =	strace s4  }
0x98: {  	_ =	strace $0x8FFFFFFF  }
0x99: {  	s19 =	sld [smem:$0x3FDB];
	_ =	sdelay $0x1  }
0x9a: {  	s5 =	simm.s32 $_scs_section_size  }
0x9b: {  	s6 =	simm.s32 $_size__tile_overlayer_lowered;
	s7 =	simm.s32 $_tile_overlayer_lowered  }
0x9c: {  	s22 =	simm.s32 $0x1BFF;
	s21 =	sshll.u32 s7, $0x1;
	s4 =	sadd.s32 s5, s19  }
0x9d: {  	s8 =	simm.s32 $0x0;
	s20 =	sshll.u32 s6, $0x1;
	s6 =	sadd.s32 s21, s4  }
0x9e: {  	[timem:s8], [sflag:s22] =	dma.local [hbm:s6], s20  }
0x9f: {  	_ =	swait.ge [sflag:s22], s20  }
0xa0: {  	s5 =	ssub.s32 $0x0, s20;
	[sflag:s22] =	ssyncset.done $0x0  }
0xa1: {  	[sflag:s22] =	ssyncadd.s32 s5;
	_ =	sdelay $0x1  }
0xa2: {  	s23 =	simm.s32 $0x1B8B  }
0xa3: {  	_ =	swait.ge [sflag:s23], $0x1  }
0xa4: {  	[sflag:s23] =	ssyncset.done $0x0  }
0xa5: {  	s25 =	simm.s32 $0x1B8E;
	s24 =	sld [smem:$0x3FFE];
	[sflag:s23] =	ssyncadd.s32 $0xFFFFFFFF  }
0xa6: {  	s26 =	simm.s32 $execute0_lowered;
	[smem:$0x3FD2] =	sst s25  }
0xa7: {  	s6 =	sshll.u32 s26, $0x1;
	_ =	strace $0x80000046;
	[dreg:$0x1] =	wrdreg $0xFFFFFFFF  }
0xa8: {  	s28 =	simm.s32 $_size_execute0_lowered;
	s4 =	sadd.s32 s4, s6;
	[dreg:$0x0] =	wrdreg $0x0  }
0xa9: {  	s6 =	sshll.u32 s28, $0x1;
	[dreg:$0x2] =	wrdreg s4  }
0xaa: {  	[dreg:$0x3] =	wrdreg s6  }
0xab: {  	[dreg:$0x4] =	wrdreg $0xC0  }
0xac: {  	_ =	task [dreg:s8], $0x5FFFF  }
0xad: {  	[dreg:$0x1] =	wrdreg $0xFFFFFFFF  }
0xae: {  	[dreg:$0x0] =	wrdreg $0x60  }
0xaf: {  	[dreg:$0x2] =	wrdreg s2  }
0xb0: {  	[dreg:$0x3] =	wrdreg s18  }
0xb1: {  	[dreg:$0x4] =	wrdreg s24  }
0xb2: {  	[dreg:$0x5] =	wrdreg $0x98800  }
0xb3: {  	[dreg:$0x6] =	wrdreg $0x1D4800  }
0xb4: {  	[dreg:$0x7] =	wrdreg $0x9  }
0xb5: {  	_ =	task.clear_ibuf [dreg:s8], $0x8FFFF;
	_ =	strace $0x90000046  }
0xb6: {  	s29 =	simm.s32 $0x9;
	_ =	strace $0x80000048  }
0xb7: {  	_ =	swait.ge [sflag:s29], $0x1  }
0xb8: {  	[sflag:s29] =	ssyncadd.s32 $0xFFFFFFFF  }
0xb9: {  	_ =	strace $0x90000048  }
0xba: {  	_ =	sfence  }
0xbb: {  	s30 =	sld [smem:$0x0];
	_ =	sdelay $0x2  }
0xbc: {  	s31 =	sshll.u32 s1, $0xD;
	s1 =	sshrl.u32 s1, $0x2  }
0xbd: {  	s3 =	sand.u32 $0x4000, s31;
	s1 =	sadd.s32 s1, s30  }
0xbe: {  	s0 =	sor.u32 s3, s0;
	s1 =	sshll.u32 s1, $0x11  }
0xbf: {  	s0 =	sor.u32 s1, s0  }
0xc0: {  	s0 =	sadd.s32 $0x8F2B, s0  }
0xc1: {  	[sflag:s0] =	ssyncadd.remote.s32 $0x1  }
0xc2: {  	_ =	sfence.sel $0xFFFF  }
0xc3: {  	[dreg:$0x0] =	wrdreg $0xFFFFFFFF;
	(pc) =	sbr.abs _section_cstart, $3  }
0xc4: {  	[dreg:$0x1] =	wrdreg $0xFFFFFFFF  }
0xc5: {  	_ =	task.clear_ibuf [dreg:s8], $0x2FFFF;
	_ =	strace $0x9FFFFFFF  }
0xc6: {  	(tm) =	ssettm $0x7FFFFFFF  }
0xc7: {  	_ =	shalt  }
tec
execute0_lowered:
.L_overlay_start_1:
0x0: {  	(tag) =	ssettag $0x1  }
0x1: {  	s0 =	rddreg [dreg:$0x0]  }
0x2: {  	s1 =	rddreg [dreg:$0x1]  }
0x3: {  	s3 =	rddreg [dreg:$0x2]  }
0x4: {  	s4 =	srdreg.scid;
	s11 =	stileid.u32  }
0x5: {  	s2 =	rddreg [dreg:$0x3];
	s5 =	simm.s32 $0x0;
	s8 =	smul.u32 $0x13C00, s11  }
0x6: {  	s6 =	sand.u32 $0x1, s4;
	s4 =	rddreg [dreg:$0x4];
	s10 =	smul.u32 $0x4F000, s11  }
0x7: {  	[smem:$0x7FF] =	sst s5;
	s20 =	smul.u32 $0x2710, s11;
	s9 =	sshll.u32 s6, $0x4  }
0x8: {  	s7 =	smul.u32 $0x13C000, s6;
	s9 =	sor.u32 s11, s9;
	s10 =	sshrl.u32 s10, $0x2  }
0x9: {  	s24 =	smul.u32 $0x2710, s9;
	s9 =	sshll.u32 s9, $0xB;
	s26 =	sadd.s32 s10, s2  }
0xa: {  	_ =	strace $0x80000047;
	s1 =	sadd.s32 s1, s9;
	[dreg:$0x18] =	wrdreg s26  }
0xb: {  	s6 =	ssub.s32 $0x2, s6;
	s9 =	sadd.s32 $0x2800, s26;
	[dreg:$0x6] =	wrdreg s1  }
0xc: {  	s25 =	sshrl.u32 s6, $0x1;
	s10 =	sadd.s32 $0x5000, s26;
	[dreg:$0x7] =	wrdreg s9  }
0xd: {  	s7 =	sadd.s32 s8, s7;
	s11 =	sadd.s32 $0x7800, s26;
	[dreg:$0x8] =	wrdreg s10  }
0xe: {  	s7 =	sshrl.u32 s7, $0x3;
	s12 =	sadd.s32 $0xA000, s26;
	[dreg:$0x9] =	wrdreg s11  }
0xf: {  	s13 =	sadd.s32 $0xC800, s26;
	s14 =	sadd.s32 $0xF000, s26;
	[dreg:$0xa] =	wrdreg s12  }
0x10: {  	s26 =	sadd.s32 $0x11800, s26;
	s7 =	sadd.s32 s7, s3;
	[dreg:$0xb] =	wrdreg s13  }
0x11: {  	s8 =	sshrl.u32 s24, $0x3;
	[dreg:$0xc] =	wrdreg s14;
	s14 =	sadd.s32 s20, s4  }
0x12: {  	[dreg:$0x17] =	wrdreg s26;
	s9 =	simm.s32 $0x9380;
	s10 =	simm.s32 $0x1  }
0x13: {  	s11 =	simm.s32 $0x50;
	s12 =	simm.s32 $0x4000;
	s13 =	simm.s32 $0x4300  }
0x14: {  	v0 =	vmov s20;
	s20 =	simm.s32 $0x2;
	s3 =	sadd.s32 s8, s3;
	s15 =	sadd.s32 $0xAE00, s7  }
0x15: {  	s8 =	ssub.s32 s6, s25;
	[dreg:$0xd] =	wrdreg s15;
	s16 =	sadd.s32 $0x1000, s3  }
0x16: {  	s26 =	sadd.s32 $0x500, s14;
	s17 =	sadd.s32 $0x10A0, s3;
	[dreg:$0xe] =	wrdreg s16  }
0x17: {  	s28 =	sadd.s32 $0xA00, s14;
	s18 =	sadd.s32 $0x1140, s3;
	[dreg:$0xf] =	wrdreg s17  }
0x18: {  	s29 =	sadd.s32 $0xF00, s14;
	s19 =	sadd.s32 $0x11E0, s3;
	[dreg:$0x10] =	wrdreg s18  }
0x19: {  	s30 =	sadd.s32 $0x1400, s14;
	s21 =	sadd.s32 $0x1280, s3;
	[dreg:$0x11] =	wrdreg s19  }
0x1a: {  	s31 =	sadd.s32 $0x1900, s14;
	s22 =	sadd.s32 $0x1320, s3;
	[dreg:$0x12] =	wrdreg s21  }
0x1b: {  	s1 =	sadd.s32 $0x2300, s14;
	s23 =	sadd.s32 $0x13C0, s3;
	[dreg:$0x13] =	wrdreg s22  }
0x1c: {  	s7 =	simm.s32 $0x6B00;
	s24 =	sadd.s32 $0x1460, s3;
	[dreg:$0x14] =	wrdreg s23  }
0x1d: {  	s25 =	smax.u32 s8, $0x1;
	s3 =	sadd.s32 $0x1E00, s14;
	[dreg:$0x15] =	wrdreg s24  }
0x1e: {  	s8 =	simm.s32 $0x3;
	s15 =	simm.s32 $0x4100;
	[dreg:$0x16] =	wrdreg s25  }
0x1f: {  	s16 =	simm.s32 $0x9300;
	s17 =	simm.s32 $0x4180;
	s18 =	simm.s32 $0x4280  }
0x20: {  	v1 =	vimm.f32 $1.000000000e+00;
	v2 =	vimm.f32 $0.0e+00;
	s19 =	simm.s32 $0x4080;
	s21 =	simm.s32 $0x4200;
	s22 =	simm.s32 $0x0  }
.LBB2_1:
0x21: {  	s23 =	rddreg [dreg:$0x6]  }
0x22: {  	[tilespmem:s5], [sflag:$0x1] =	stream.linear.gather [hbm4b:s23+s5], $0x3E80, $0x38;
	[tilespmem:$0x1FB90] =	vst v63  }
0x23: {  	s6 =	smov.u32 s1;
	s1 =	smov.u32 s3;
	[tilespmem:$0x9300] =	vst v1  }
0x24: {  	s3 =	smov.u32 s31;
	s31 =	smov.u32 s30;
	s30 =	smov.u32 s29;
	[tilespmem:$0x9310] =	vst v1  }
0x25: {  	s29 =	smov.u32 s28;
	s28 =	smov.u32 s26;
	s26 =	sand.u32 $0xFE00, s5;
	[tilespmem:$0x9320] =	vst v1  }
0x26: {  	s24 =	sand.u32 $0x70, s5;
	s25 =	sshrl.u32 s26, $0x2;
	[tilespmem:$0x9330] =	vst v1  }
0x27: {  	s23 =	simm.s32 $0x40;
	[tilespmem:$0x9340] =	vst v1;
	s25 =	sor.u32 s24, s25;
	s24 =	simm.s32 $0x0  }
.LBB2_2:
0x28: {  	p0 =	sne.s32 s23, $0x9FC0  }
0x29: {  	[tilespmem:s25+$0x6B00] =	vst v2;
	s24 =	sadd.s32 $0x10, s24;
	s25 =	smov.u32 s23;
	s23 =	sadd.s32 $0x40, s23  }
.Ltmp0:
0x2a: {  	(pc) =	sbr.rel @p0 .LBB2_2-.Ltmp0, $4  }
0x2b: {  	_ = 	snop  }
0x2c: {  	s25 =	sand.u32 $0xFE00, s25  }
0x2d: {  	s26 =	sand.u32 $0x70, s24;
	s25 =	sshrl.u32 s25, $0x2  }
0x2e: {  	s25 =	sor.u32 s26, s25  }
0x2f: {  	[tilespmem:s25+$0x6B00] =	vst v2;
	s23 =	rddreg [dreg:$0x18]  }
0x30: {  	[spmem:s23] =	stream.linear.scatter [tilespmem:s7], [sflag:$0x3], $0x2800, $0x38;
	[tilespmem:$0x1FB90] =	vst v63  }
0x31: {  	_ =	swait.ge [sflag:s8], $0x2800  }
0x32: {  	[sflag:s8] =	ssyncset.done $0x0  }
0x33: {  	s26 =	rddreg [dreg:$0x7];
	[sflag:s8] =	ssyncadd.s32 $0xFFFFD800  }
0x34: {  	[spmem:s26] =	stream.linear.scatter [tilespmem:s7], [sflag:$0x3], $0x2800, $0x38;
	[tilespmem:$0x1FB90] =	vst v63  }
0x35: {  	_ =	swait.ge [sflag:s8], $0x2800  }
0x36: {  	[sflag:s8] =	ssyncset.done $0x0  }
0x37: {  	s24 =	rddreg [dreg:$0x8];
	[sflag:s8] =	ssyncadd.s32 $0xFFFFD800  }
0x38: {  	[spmem:s24] =	stream.linear.scatter [tilespmem:s7], [sflag:$0x3], $0x2800, $0x38;
	[tilespmem:$0x1FB90] =	vst v63  }
0x39: {  	_ =	swait.ge [sflag:s8], $0x2800  }
0x3a: {  	[sflag:s8] =	ssyncset.done $0x0  }
0x3b: {  	s25 =	rddreg [dreg:$0x9];
	[sflag:s8] =	ssyncadd.s32 $0xFFFFD800  }
0x3c: {  	[spmem:s25] =	stream.linear.scatter [tilespmem:s7], [sflag:$0x3], $0x2800, $0x38;
	[tilespmem:$0x1FB90] =	vst v63  }
0x3d: {  	_ =	swait.ge [sflag:s8], $0x2800  }
0x3e: {  	[sflag:s8] =	ssyncset.done $0x0  }
0x3f: {  	s26 =	rddreg [dreg:$0xa];
	[sflag:s8] =	ssyncadd.s32 $0xFFFFD800  }
0x40: {  	[spmem:s26] =	stream.linear.scatter [tilespmem:s7], [sflag:$0x3], $0x2800, $0x38;
	[tilespmem:$0x1FB90] =	vst v63  }
0x41: {  	_ =	swait.ge [sflag:s8], $0x2800  }
0x42: {  	[sflag:s8] =	ssyncset.done $0x0  }
0x43: {  	s24 =	rddreg [dreg:$0xb];
	[sflag:s8] =	ssyncadd.s32 $0xFFFFD800  }
0x44: {  	[spmem:s24] =	stream.linear.scatter [tilespmem:s7], [sflag:$0x3], $0x2800, $0x38;
	[tilespmem:$0x1FB90] =	vst v63  }
0x45: {  	_ =	swait.ge [sflag:s8], $0x2800  }
0x46: {  	[sflag:s8] =	ssyncset.done $0x0  }
0x47: {  	s25 =	rddreg [dreg:$0xc];
	[sflag:s8] =	ssyncadd.s32 $0xFFFFD800  }
0x48: {  	[spmem:s25] =	stream.linear.scatter [tilespmem:s7], [sflag:$0x3], $0x2800, $0x38;
	[tilespmem:$0x1FB90] =	vst v63  }
0x49: {  	_ =	swait.ge [sflag:s8], $0x2800  }
0x4a: {  	[sflag:s8] =	ssyncset.done $0x0  }
0x4b: {  	s26 =	rddreg [dreg:$0x17];
	[sflag:s8] =	ssyncadd.s32 $0xFFFFD800  }
0x4c: {  	[spmem:s26] =	stream.linear.scatter [tilespmem:s7], [sflag:$0x3], $0x2400, $0x38;
	[tilespmem:$0x1FB90] =	vst v63  }
0x4d: {  	_ =	swait.ge [sflag:s8], $0x2400  }
0x4e: {  	[sflag:s8] =	ssyncset.done $0x0  }
0x4f: {  	s23 =	simm.s32 $0x40;
	s24 =	simm.s32 $0x0;
	[sflag:s8] =	ssyncadd.s32 $0xFFFFDC00  }
.LBB2_4:
0x50: {  	p0 =	sne.s32 s23, $0x13C0;
	[tilespmem:s24+$0x9380] =	vst v2;
	s24 =	smov.u32 s23;
	s23 =	sadd.s32 $0x40, s23  }
.Ltmp1:
0x51: {  	(pc) =	sbr.rel @p0 .LBB2_4-.Ltmp1, $2  }
0x52: {  	_ =	sdelay $0x2  }
0x53: {  	s24 =	sshra.s32 s24, $0x2  }
0x54: {  	[tilespmem:s24+$0x9380] =	vst v2  }
0x55: {  	[spmem:s14] =	stream.linear.scatter [tilespmem:s9], [sflag:$0x3], $0x500, $0x38;
	[tilespmem:$0x1FB90] =	vst v63  }
0x56: {  	_ =	swait.ge [sflag:s8], $0x500  }
0x57: {  	[sflag:s8] =	ssyncset.done $0x0  }
0x58: {  	[sflag:s8] =	ssyncadd.s32 $0xFFFFFB00  }
0x59: {  	[spmem:s28] =	stream.linear.scatter [tilespmem:s9], [sflag:$0x3], $0x500, $0x38;
	[tilespmem:$0x1FB90] =	vst v63  }
0x5a: {  	_ =	swait.ge [sflag:s8], $0x500  }
0x5b: {  	[sflag:s8] =	ssyncset.done $0x0  }
0x5c: {  	[sflag:s8] =	ssyncadd.s32 $0xFFFFFB00  }
0x5d: {  	[spmem:s29] =	stream.linear.scatter [tilespmem:s9], [sflag:$0x3], $0x500, $0x38;
	[tilespmem:$0x1FB90] =	vst v63  }
0x5e: {  	_ =	swait.ge [sflag:s8], $0x500  }
0x5f: {  	[sflag:s8] =	ssyncset.done $0x0  }
0x60: {  	[sflag:s8] =	ssyncadd.s32 $0xFFFFFB00  }
0x61: {  	[spmem:s30] =	stream.linear.scatter [tilespmem:s9], [sflag:$0x3], $0x500, $0x38;
	[tilespmem:$0x1FB90] =	vst v63  }
0x62: {  	_ =	swait.ge [sflag:s8], $0x500  }
0x63: {  	[sflag:s8] =	ssyncset.done $0x0  }
0x64: {  	[sflag:s8] =	ssyncadd.s32 $0xFFFFFB00  }
0x65: {  	[spmem:s31] =	stream.linear.scatter [tilespmem:s9], [sflag:$0x3], $0x500, $0x38;
	[tilespmem:$0x1FB90] =	vst v63  }
0x66: {  	_ =	swait.ge [sflag:s8], $0x500  }
0x67: {  	[sflag:s8] =	ssyncset.done $0x0  }
0x68: {  	[sflag:s8] =	ssyncadd.s32 $0xFFFFFB00  }
0x69: {  	[spmem:s3] =	stream.linear.scatter [tilespmem:s9], [sflag:$0x3], $0x500, $0x38;
	[tilespmem:$0x1FB90] =	vst v63  }
0x6a: {  	_ =	swait.ge [sflag:s8], $0x500  }
0x6b: {  	[sflag:s8] =	ssyncset.done $0x0  }
0x6c: {  	[sflag:s8] =	ssyncadd.s32 $0xFFFFFB00  }
0x6d: {  	[spmem:s1] =	stream.linear.scatter [tilespmem:s9], [sflag:$0x3], $0x500, $0x38;
	[tilespmem:$0x1FB90] =	vst v63  }
0x6e: {  	_ =	swait.ge [sflag:s8], $0x500  }
0x6f: {  	[sflag:s8] =	ssyncset.done $0x0  }
0x70: {  	[sflag:s8] =	ssyncadd.s32 $0xFFFFFB00  }
0x71: {  	[spmem:s6] =	stream.linear.scatter [tilespmem:s9], [sflag:$0x3], $0x410, $0x38;
	[tilespmem:$0x1FB90] =	vst v63  }
0x72: {  	_ =	swait.ge [sflag:s8], $0x410  }
0x73: {  	[sflag:s8] =	ssyncset.done $0x0  }
0x74: {  	[sflag:s8] =	ssyncadd.s32 $0xFFFFFBF0  }
0x75: {  	_ =	swait.ge [sflag:s10], $0x3E80  }
0x76: {  	[sflag:s10] =	ssyncset.done $0x0  }
0x77: {  	[sflag:s10] =	ssyncadd.s32 $0xFFFFC180  }
0x78: {  	v3 =	vld [tilespmem:$0x0];
	_ =	sdelay $0x1  }
0x79: {  	v40 =	vld [tilespmem:$0x20];
	_ =	sdelay $0x1  }
0x7a: {  	v4 =	vld [tilespmem:$0x10]  }
0x7b: {  	v5 =	vand.u32 $0xFFFF, v3  }
0x7c: {  	v3 =	vshrl.u32 v3, $0x10;
	[tilespmem:$0x4000] =	vst v5  }
0x7d: {  	v41 =	vand.u32 $0xFFFF, v40;
	[tilespmem:$0x4080] =	vst v3  }
0x7e: {  	v3 =	vadd.s32 v0, v3;
	[tilespmem:$0x4020] =	vst v41  }
0x7f: {  	v42 =	vld [tilespmem:$0x40];
	[tilespmem:$0x4100] =	vst v3;
	v3 =	vand.u32 $0xFFFF, v4  }
0x80: {  	v5 =	vshrl.u32 v40, $0x10;
	[tilespmem:$0x4010] =	vst v3;
	v3 =	vld [tilespmem:$0x30]  }
0x81: {  	v4 =	vshrl.u32 v4, $0x10;
	[tilespmem:$0x40A0] =	vst v5  }
0x82: {  	v5 =	vadd.s32 v0, v5;
	[tilespmem:$0x4090] =	vst v4  }
0x83: {  	v4 =	vadd.s32 v0, v4;
	[tilespmem:$0x4120] =	vst v5  }
0x84: {  	[tilespmem:$0x4110] =	vst v4;
	v4 =	vshrl.u32 v42, $0x10  }
0x85: {  	[tilespmem:$0x40C0] =	vst v4;
	v43 =	vand.u32 $0xFFFF, v3  }
0x86: {  	v3 =	vshrl.u32 v3, $0x10;
	[tilespmem:$0x4030] =	vst v43  }
0x87: {  	[tilespmem:$0x40B0] =	vst v3;
	v3 =	vadd.s32 v0, v3  }
0x88: {  	[tilespmem:$0x4130] =	vst v3;
	v3 =	vand.u32 $0xFFFF, v42  }
0x89: {  	[tilespmem:$0x4040] =	vst v3;
	v3 =	vadd.s32 v0, v4  }
0x8a: {  	[tilespmem:$0x4140] =	vst v3  }
0x8b: {  	[tilespmem:s13], [sflag:$0x1] =	stream.indirect.gather [hbm4b:s0+s11], $0x80, s12, s11, $0xb8;
	[tilespmem:$0x1FB90] =	vst v63  }
0x8c: {  	_ = 	snop  }
0x8d: {  	[spmem:s4] =	stream.indirect.scatter.add.f32 [tilespmem:s16], [sflag:$0x3], $0x1, s15, s11, $0xb8;
	[tilespmem:$0x1FB90] =	vst v63  }
0x8e: {  	_ =	swait.ge [sflag:s8], $0x50  }
0x8f: {  	[sflag:s8] =	ssyncset.done $0x0  }
0x90: {  	[sflag:s8] =	ssyncadd.s32 $0xFFFFFFB0  }
0x91: {  	s23 =	simm.s32 $0x0;
	[bflag:$0x0] =	sbarrier.arrive $0xFFFF  }
0x92: {  	v3 =	vld [tilespmem:s23+$0x80];
	_ =	sdelay $0x4  }
0x93: {  	v44 =	vand.u32 $0xFFFF, v3  }
0x94: {  	v3 =	vshrl.u32 v3, $0x10;
	[tilespmem:$0x4180] =	vst v44  }
0x95: {  	v45 =	vadd.s32 v0, v3;
	[tilespmem:$0x4200] =	vst v3  }
0x96: {  	[tilespmem:$0x4280] =	vst v45  }
0x97: {  	v3 =	vld [tilespmem:s23+$0x90];
	_ =	sdelay $0x4  }
0x98: {  	v46 =	vand.u32 $0xFFFF, v3  }
0x99: {  	v3 =	vshrl.u32 v3, $0x10;
	[tilespmem:$0x4190] =	vst v46  }
0x9a: {  	v47 =	vadd.s32 v0, v3;
	[tilespmem:$0x4210] =	vst v3  }
0x9b: {  	[tilespmem:$0x4290] =	vst v47  }
0x9c: {  	v3 =	vld [tilespmem:s23+$0xA0];
	_ =	sdelay $0x4  }
0x9d: {  	v48 =	vand.u32 $0xFFFF, v3  }
0x9e: {  	v3 =	vshrl.u32 v3, $0x10;
	[tilespmem:$0x41A0] =	vst v48  }
0x9f: {  	v49 =	vadd.s32 v0, v3;
	[tilespmem:$0x4220] =	vst v3  }
0xa0: {  	[tilespmem:$0x42A0] =	vst v49  }
0xa1: {  	v3 =	vld [tilespmem:s23+$0xB0];
	_ =	sdelay $0x4  }
0xa2: {  	v50 =	vand.u32 $0xFFFF, v3  }
0xa3: {  	v3 =	vshrl.u32 v3, $0x10;
	[tilespmem:$0x41B0] =	vst v50  }
0xa4: {  	v51 =	vadd.s32 v0, v3;
	[tilespmem:$0x4230] =	vst v3  }
0xa5: {  	[tilespmem:$0x42B0] =	vst v51  }
0xa6: {  	v3 =	vld [tilespmem:s23+$0xC0];
	_ =	sdelay $0x4  }
0xa7: {  	v52 =	vand.u32 $0xFFFF, v3  }
0xa8: {  	v3 =	vshrl.u32 v3, $0x10;
	[tilespmem:$0x41C0] =	vst v52  }
0xa9: {  	v53 =	vadd.s32 v0, v3;
	[tilespmem:$0x4240] =	vst v3  }
0xaa: {  	[tilespmem:$0x42C0] =	vst v53  }
0xab: {  	[tilespmem:s7], [sflag:$0x2] =	stream.indirect.gather [hbm4b:s0+s11], $0x80, s17, s11, $0xb8;
	[tilespmem:$0x1FB90] =	vst v63  }
0xac: {  	_ = 	snop  }
0xad: {  	[spmem:s4] =	stream.indirect.scatter.add.f32 [tilespmem:s16], [sflag:$0x3], $0x1, s18, s11, $0xb8;
	[tilespmem:$0x1FB90] =	vst v63  }
0xae: {  	_ =	swait.ge [sflag:s8], $0x50  }
0xaf: {  	[sflag:s8] =	ssyncset.done $0x0  }
0xb0: {  	[sflag:s8] =	ssyncadd.s32 $0xFFFFFFB0  }
0xb1: {  	_ =	swait.ge [sflag:s10], $0x2800  }
0xb2: {  	[sflag:s10] =	ssyncset.done $0x0  }
0xb3: {  	[sflag:s10] =	ssyncadd.s32 $0xFFFFD800  }
0xb4: {  	[spmem:s2] =	stream.indirect.scatter.add.f32 [tilespmem:s13], [sflag:$0x3], $0x80, s19, s11, $0xb8;
	[tilespmem:$0x1FB90] =	vst v63  }
0xb5: {  	_ =	swait.ge [sflag:s8], $0x2800  }
0xb6: {  	[sflag:s8] =	ssyncset.done $0x0  }
0xb7: {  	[sflag:s8] =	ssyncadd.s32 $0xFFFFD800  }
0xb8: {  	v3 =	vld [tilespmem:s23+$0x100];
	_ =	sdelay $0x4  }
0xb9: {  	v54 =	vand.u32 $0xFFFF, v3  }
0xba: {  	v3 =	vshrl.u32 v3, $0x10;
	[tilespmem:$0x4000] =	vst v54  }
0xbb: {  	v55 =	vadd.s32 v0, v3;
	[tilespmem:$0x4080] =	vst v3  }
0xbc: {  	[tilespmem:$0x4100] =	vst v55  }
0xbd: {  	v3 =	vld [tilespmem:s23+$0x110];
	_ =	sdelay $0x4  }
0xbe: {  	v56 =	vand.u32 $0xFFFF, v3  }
0xbf: {  	v3 =	vshrl.u32 v3, $0x10;
	[tilespmem:$0x4010] =	vst v56  }
0xc0: {  	v57 =	vadd.s32 v0, v3;
	[tilespmem:$0x4090] =	vst v3  }
0xc1: {  	[tilespmem:$0x4110] =	vst v57  }
0xc2: {  	v3 =	vld [tilespmem:s23+$0x120];
	_ =	sdelay $0x4  }
0xc3: {  	v58 =	vand.u32 $0xFFFF, v3  }
0xc4: {  	v3 =	vshrl.u32 v3, $0x10;
	[tilespmem:$0x4020] =	vst v58  }
0xc5: {  	v59 =	vadd.s32 v0, v3;
	[tilespmem:$0x40A0] =	vst v3  }
0xc6: {  	[tilespmem:$0x4120] =	vst v59  }
0xc7: {  	v3 =	vld [tilespmem:s23+$0x130];
	_ =	sdelay $0x4  }
0xc8: {  	v60 =	vand.u32 $0xFFFF, v3  }
0xc9: {  	v3 =	vshrl.u32 v3, $0x10;
	[tilespmem:$0x4030] =	vst v60  }
0xca: {  	v61 =	vadd.s32 v0, v3;
	[tilespmem:$0x40B0] =	vst v3  }
0xcb: {  	[tilespmem:$0x4130] =	vst v61  }
0xcc: {  	v3 =	vld [tilespmem:s23+$0x140];
	_ =	sdelay $0x4  }
0xcd: {  	v62 =	vand.u32 $0xFFFF, v3  }
0xce: {  	s26 =	smov.u32 s28;
	s28 =	smov.u32 s29;
	v3 =	vshrl.u32 v3, $0x10;
	[tilespmem:$0x4040] =	vst v62  }
0xcf: {  	s29 =	smov.u32 s30;
	s30 =	smov.u32 s31;
	s31 =	smov.u32 s3;
	v63 =	vadd.s32 v0, v3;
	[tilespmem:$0x40C0] =	vst v3  }
0xd0: {  	s3 =	smov.u32 s1;
	s1 =	smov.u32 s6;
	s23 =	simm.s32 $0x400;
	[tilespmem:$0x4140] =	vst v63  }
0xd1: {  	[tilespmem:s13], [sflag:$0x1] =	stream.indirect.gather [hbm4b:s0+s11], $0x80, s12, s11, $0xb8;
	[tilespmem:$0x1FB90] =	vst v63  }
.LBB2_6:
0xd2: {  	[spmem:s4] =	stream.indirect.scatter.add.f32 [tilespmem:s16], [sflag:$0x3], $0x1, s15, s11, $0xb8;
	[tilespmem:$0x1FB90] =	vst v63  }
0xd3: {  	s24 =	smov.u32 s23  }
0xd4: {  	p0 =	sne.s32 s23, $0xF400;
	s23 =	sadd.s32 $0x400, s23;
	_ =	swait.ge [sflag:s8], $0x50  }
0xd5: {  	[sflag:s8] =	ssyncset.done $0x0  }
0xd6: {  	[sflag:s8] =	ssyncadd.s32 $0xFFFFFFB0  }
0xd7: {  	_ =	swait.ge [sflag:s20], $0x2800  }
0xd8: {  	[sflag:s20] =	ssyncset.done $0x0  }
0xd9: {  	[sflag:s20] =	ssyncadd.s32 $0xFFFFD800  }
0xda: {  	[spmem:s2] =	stream.indirect.scatter.add.f32 [tilespmem:s7], [sflag:$0x3], $0x80, s21, s11, $0xb8;
	[tilespmem:$0x1FB90] =	vst v63  }
0xdb: {  	_ =	swait.ge [sflag:s8], $0x2800  }
0xdc: {  	[sflag:s8] =	ssyncset.done $0x0  }
0xdd: {  	s24 =	sshra.s32 s24, $0x2;
	[sflag:s8] =	ssyncadd.s32 $0xFFFFD800  }
0xde: {  	v3 =	vld [tilespmem:s24+$0x80];
	_ =	sdelay $0x4  }
0xdf: {  	v4 =	vand.u32 $0xFFFF, v3;
	v3 =	vshrl.u32 v3, $0x10  }
0xe0: {  	[tilespmem:$0x4180] =	vst v4;
	v4 =	vadd.s32 v0, v3  }
0xe1: {  	[tilespmem:$0x4280] =	vst v4  }
0xe2: {  	[tilespmem:$0x4200] =	vst v3  }
0xe3: {  	v3 =	vld [tilespmem:s24+$0x90];
	_ =	sdelay $0x4  }
0xe4: {  	v4 =	vand.u32 $0xFFFF, v3;
	v3 =	vshrl.u32 v3, $0x10  }
0xe5: {  	[tilespmem:$0x4190] =	vst v4;
	v4 =	vadd.s32 v0, v3  }
0xe6: {  	[tilespmem:$0x4290] =	vst v4  }
0xe7: {  	[tilespmem:$0x4210] =	vst v3  }
0xe8: {  	v3 =	vld [tilespmem:s24+$0xA0];
	_ =	sdelay $0x4  }
0xe9: {  	v4 =	vand.u32 $0xFFFF, v3;
	v3 =	vshrl.u32 v3, $0x10  }
0xea: {  	[tilespmem:$0x41A0] =	vst v4;
	v4 =	vadd.s32 v0, v3  }
0xeb: {  	[tilespmem:$0x42A0] =	vst v4  }
0xec: {  	[tilespmem:$0x4220] =	vst v3  }
0xed: {  	v3 =	vld [tilespmem:s24+$0xB0];
	_ =	sdelay $0x4  }
0xee: {  	v4 =	vand.u32 $0xFFFF, v3;
	v3 =	vshrl.u32 v3, $0x10  }
0xef: {  	[tilespmem:$0x41B0] =	vst v4;
	v4 =	vadd.s32 v0, v3  }
0xf0: {  	[tilespmem:$0x42B0] =	vst v4  }
0xf1: {  	[tilespmem:$0x4230] =	vst v3  }
0xf2: {  	v3 =	vld [tilespmem:s24+$0xC0];
	_ =	sdelay $0x4  }
0xf3: {  	v4 =	vand.u32 $0xFFFF, v3;
	v3 =	vshrl.u32 v3, $0x10  }
0xf4: {  	[tilespmem:$0x41C0] =	vst v4;
	v4 =	vadd.s32 v0, v3  }
0xf5: {  	[tilespmem:$0x42C0] =	vst v4  }
0xf6: {  	[tilespmem:$0x4240] =	vst v3  }
0xf7: {  	[tilespmem:s7], [sflag:$0x2] =	stream.indirect.gather [hbm4b:s0+s11], $0x80, s17, s11, $0xb8;
	[tilespmem:$0x1FB90] =	vst v63  }
0xf8: {  	_ = 	snop  }
0xf9: {  	[spmem:s4] =	stream.indirect.scatter.add.f32 [tilespmem:s16], [sflag:$0x3], $0x1, s18, s11, $0xb8;
	[tilespmem:$0x1FB90] =	vst v63  }
0xfa: {  	_ =	swait.ge [sflag:s8], $0x50  }
0xfb: {  	[sflag:s8] =	ssyncset.done $0x0  }
0xfc: {  	[sflag:s8] =	ssyncadd.s32 $0xFFFFFFB0  }
0xfd: {  	_ =	swait.ge [sflag:s10], $0x2800  }
0xfe: {  	[sflag:s10] =	ssyncset.done $0x0  }
0xff: {  	[sflag:s10] =	ssyncadd.s32 $0xFFFFD800  }
0x100: {  	[spmem:s2] =	stream.indirect.scatter.add.f32 [tilespmem:s13], [sflag:$0x3], $0x80, s19, s11, $0xb8;
	[tilespmem:$0x1FB90] =	vst v63  }
0x101: {  	_ =	swait.ge [sflag:s8], $0x2800  }
0x102: {  	[sflag:s8] =	ssyncset.done $0x0  }
0x103: {  	[sflag:s8] =	ssyncadd.s32 $0xFFFFD800  }
0x104: {  	v3 =	vld [tilespmem:s24+$0x100];
	_ =	sdelay $0x4  }
0x105: {  	v4 =	vand.u32 $0xFFFF, v3;
	v3 =	vshrl.u32 v3, $0x10  }
0x106: {  	[tilespmem:$0x4000] =	vst v4;
	v4 =	vadd.s32 v0, v3  }
0x107: {  	[tilespmem:$0x4100] =	vst v4  }
0x108: {  	[tilespmem:$0x4080] =	vst v3  }
0x109: {  	v3 =	vld [tilespmem:s24+$0x110];
	_ =	sdelay $0x4  }
0x10a: {  	v4 =	vand.u32 $0xFFFF, v3;
	v3 =	vshrl.u32 v3, $0x10  }
0x10b: {  	[tilespmem:$0x4010] =	vst v4;
	v4 =	vadd.s32 v0, v3  }
0x10c: {  	[tilespmem:$0x4110] =	vst v4  }
0x10d: {  	[tilespmem:$0x4090] =	vst v3  }
0x10e: {  	v3 =	vld [tilespmem:s24+$0x120];
	_ =	sdelay $0x4  }
0x10f: {  	v4 =	vand.u32 $0xFFFF, v3;
	v3 =	vshrl.u32 v3, $0x10  }
0x110: {  	[tilespmem:$0x4020] =	vst v4;
	v4 =	vadd.s32 v0, v3  }
0x111: {  	[tilespmem:$0x4120] =	vst v4  }
0x112: {  	[tilespmem:$0x40A0] =	vst v3  }
0x113: {  	v3 =	vld [tilespmem:s24+$0x130];
	_ =	sdelay $0x4  }
0x114: {  	v4 =	vand.u32 $0xFFFF, v3;
	v3 =	vshrl.u32 v3, $0x10  }
0x115: {  	[tilespmem:$0x4030] =	vst v4;
	v4 =	vadd.s32 v0, v3  }
0x116: {  	[tilespmem:$0x4130] =	vst v4  }
0x117: {  	[tilespmem:$0x40B0] =	vst v3  }
0x118: {  	v3 =	vld [tilespmem:s24+$0x140];
	_ =	sdelay $0x4  }
.Ltmp2:
0x119: {  	v4 =	vand.u32 $0xFFFF, v3;
	v3 =	vshrl.u32 v3, $0x10;
	(pc) =	sbr.rel @p0 .LBB2_6-.Ltmp2, $4  }
0x11a: {  	[tilespmem:$0x4040] =	vst v4;
	v4 =	vadd.s32 v0, v3  }
0x11b: {  	[tilespmem:$0x4140] =	vst v4  }
0x11c: {  	[tilespmem:$0x40C0] =	vst v3  }
0x11d: {  	[tilespmem:s13], [sflag:$0x1] =	stream.indirect.gather [hbm4b:s0+s11], $0x80, s12, s11, $0xb8;
	[tilespmem:$0x1FB90] =	vst v63  }
0x11e: {  	[spmem:s4] =	stream.indirect.scatter.add.f32 [tilespmem:s16], [sflag:$0x3], $0x1, s15, s11, $0xb8;
	[tilespmem:$0x1FB90] =	vst v63  }
0x11f: {  	_ =	swait.ge [sflag:s8], $0x50  }
0x120: {  	[sflag:s8] =	ssyncset.done $0x0  }
0x121: {  	[sflag:s8] =	ssyncadd.s32 $0xFFFFFFB0  }
0x122: {  	_ =	swait.ge [sflag:s20], $0x2800  }
0x123: {  	[sflag:s20] =	ssyncset.done $0x0  }
0x124: {  	[sflag:s20] =	ssyncadd.s32 $0xFFFFD800  }
0x125: {  	[spmem:s2] =	stream.indirect.scatter.add.f32 [tilespmem:s7], [sflag:$0x3], $0x80, s21, s11, $0xb8;
	[tilespmem:$0x1FB90] =	vst v63  }
0x126: {  	_ =	swait.ge [sflag:s8], $0x2800  }
0x127: {  	[sflag:s8] =	ssyncset.done $0x0  }
0x128: {  	[sflag:s8] =	ssyncadd.s32 $0xFFFFD800  }
0x129: {  	_ =	swait.ge [sflag:s10], $0x2800  }
0x12a: {  	[sflag:s10] =	ssyncset.done $0x0  }
0x12b: {  	[sflag:s10] =	ssyncadd.s32 $0xFFFFD800  }
0x12c: {  	[spmem:s2] =	stream.indirect.scatter.add.f32 [tilespmem:s13], [sflag:$0x3], $0x80, s19, s11, $0xb8;
	[tilespmem:$0x1FB90] =	vst v63  }
0x12d: {  	_ =	swait.ge [sflag:s8], $0x2800  }
0x12e: {  	[sflag:s8] =	ssyncset.done $0x0  }
0x12f: {  	[sflag:s8] =	ssyncadd.s32 $0xFFFFD800  }
0x130: {  	s23 =	stileid.u32;
	[bflag:$0x0] =	sbarrier.arrive $0xFFFF  }
0x131: {  	s23 =	sshll.u32 s23, $0x6;
	s6 =	rddreg [dreg:$0x18]  }
0x132: {  	s23 =	sor.u32 $0x1C03, s23;
	s25 =	rddreg [dreg:$0xd];
	s24 =	sshrl.u32 s6, $0x3  }
0x133: {  	[hbm:s25], [sflag:s23] =	dma.local [spmem:s24], $0x2780  }
0x134: {  	_ =	swait.ge [sflag:s8], $0x2780  }
0x135: {  	[sflag:s8] =	ssyncset.done $0x0  }
0x136: {  	[sflag:s8] =	ssyncadd.s32 $0xFFFFD880  }
0x137: {  	[tilespmem:s9], [sflag:$0x3] =	stream.linear.gather [spmem:s14], $0x500, $0x38;
	[tilespmem:$0x1FB90] =	vst v63  }
0x138: {  	_ =	swait.ge [sflag:s8], $0x500  }
0x139: {  	[sflag:s8] =	ssyncset.done $0x0  }
0x13a: {  	s6 =	rddreg [dreg:$0xe];
	[sflag:s8] =	ssyncadd.s32 $0xFFFFFB00  }
0x13b: {  	[hbm4b:s6+s5] =	stream.linear.scatter [tilespmem:s9], [sflag:$0x3], $0x500, $0x38;
	[tilespmem:$0x1FB90] =	vst v63  }
0x13c: {  	_ =	swait.ge [sflag:s8], $0x500  }
0x13d: {  	[sflag:s8] =	ssyncset.done $0x0  }
0x13e: {  	[sflag:s8] =	ssyncadd.s32 $0xFFFFFB00  }
0x13f: {  	[tilespmem:s9], [sflag:$0x3] =	stream.linear.gather [spmem:s26], $0x500, $0x38;
	[tilespmem:$0x1FB90] =	vst v63  }
0x140: {  	_ =	swait.ge [sflag:s8], $0x500  }
0x141: {  	[sflag:s8] =	ssyncset.done $0x0  }
0x142: {  	s24 =	rddreg [dreg:$0xf];
	[sflag:s8] =	ssyncadd.s32 $0xFFFFFB00  }
0x143: {  	[hbm4b:s24+s5] =	stream.linear.scatter [tilespmem:s9], [sflag:$0x3], $0x500, $0x38;
	[tilespmem:$0x1FB90] =	vst v63  }
0x144: {  	_ =	swait.ge [sflag:s8], $0x500  }
0x145: {  	[sflag:s8] =	ssyncset.done $0x0  }
0x146: {  	[sflag:s8] =	ssyncadd.s32 $0xFFFFFB00  }
0x147: {  	[tilespmem:s9], [sflag:$0x3] =	stream.linear.gather [spmem:s28], $0x500, $0x38;
	[tilespmem:$0x1FB90] =	vst v63  }
0x148: {  	_ =	swait.ge [sflag:s8], $0x500  }
0x149: {  	[sflag:s8] =	ssyncset.done $0x0  }
0x14a: {  	s25 =	rddreg [dreg:$0x10];
	[sflag:s8] =	ssyncadd.s32 $0xFFFFFB00  }
0x14b: {  	[hbm4b:s25+s5] =	stream.linear.scatter [tilespmem:s9], [sflag:$0x3], $0x500, $0x38;
	[tilespmem:$0x1FB90] =	vst v63  }
0x14c: {  	_ =	swait.ge [sflag:s8], $0x500  }
0x14d: {  	[sflag:s8] =	ssyncset.done $0x0  }
0x14e: {  	[sflag:s8] =	ssyncadd.s32 $0xFFFFFB00  }
0x14f: {  	[tilespmem:s9], [sflag:$0x3] =	stream.linear.gather [spmem:s29], $0x500, $0x38;
	[tilespmem:$0x1FB90] =	vst v63  }
0x150: {  	_ =	swait.ge [sflag:s8], $0x500  }
0x151: {  	[sflag:s8] =	ssyncset.done $0x0  }
0x152: {  	s6 =	rddreg [dreg:$0x11];
	[sflag:s8] =	ssyncadd.s32 $0xFFFFFB00  }
0x153: {  	[hbm4b:s6+s5] =	stream.linear.scatter [tilespmem:s9], [sflag:$0x3], $0x500, $0x38;
	[tilespmem:$0x1FB90] =	vst v63  }
0x154: {  	_ =	swait.ge [sflag:s8], $0x500  }
0x155: {  	[sflag:s8] =	ssyncset.done $0x0  }
0x156: {  	[sflag:s8] =	ssyncadd.s32 $0xFFFFFB00  }
0x157: {  	[tilespmem:s9], [sflag:$0x3] =	stream.linear.gather [spmem:s30], $0x500, $0x38;
	[tilespmem:$0x1FB90] =	vst v63  }
0x158: {  	_ =	swait.ge [sflag:s8], $0x500  }
0x159: {  	[sflag:s8] =	ssyncset.done $0x0  }
0x15a: {  	s24 =	rddreg [dreg:$0x12];
	[sflag:s8] =	ssyncadd.s32 $0xFFFFFB00  }
0x15b: {  	[hbm4b:s24+s5] =	stream.linear.scatter [tilespmem:s9], [sflag:$0x3], $0x500, $0x38;
	[tilespmem:$0x1FB90] =	vst v63  }
0x15c: {  	_ =	swait.ge [sflag:s8], $0x500  }
0x15d: {  	[sflag:s8] =	ssyncset.done $0x0  }
0x15e: {  	[sflag:s8] =	ssyncadd.s32 $0xFFFFFB00  }
0x15f: {  	[tilespmem:s9], [sflag:$0x3] =	stream.linear.gather [spmem:s31], $0x500, $0x38;
	[tilespmem:$0x1FB90] =	vst v63  }
0x160: {  	_ =	swait.ge [sflag:s8], $0x500  }
0x161: {  	[sflag:s8] =	ssyncset.done $0x0  }
0x162: {  	s25 =	rddreg [dreg:$0x13];
	[sflag:s8] =	ssyncadd.s32 $0xFFFFFB00  }
0x163: {  	[hbm4b:s25+s5] =	stream.linear.scatter [tilespmem:s9], [sflag:$0x3], $0x500, $0x38;
	[tilespmem:$0x1FB90] =	vst v63  }
0x164: {  	_ =	swait.ge [sflag:s8], $0x500  }
0x165: {  	[sflag:s8] =	ssyncset.done $0x0  }
0x166: {  	[sflag:s8] =	ssyncadd.s32 $0xFFFFFB00  }
0x167: {  	[tilespmem:s9], [sflag:$0x3] =	stream.linear.gather [spmem:s3], $0x500, $0x38;
	[tilespmem:$0x1FB90] =	vst v63  }
0x168: {  	_ =	swait.ge [sflag:s8], $0x500  }
0x169: {  	[sflag:s8] =	ssyncset.done $0x0  }
0x16a: {  	s6 =	rddreg [dreg:$0x14];
	[sflag:s8] =	ssyncadd.s32 $0xFFFFFB00  }
0x16b: {  	[hbm4b:s6+s5] =	stream.linear.scatter [tilespmem:s9], [sflag:$0x3], $0x500, $0x38;
	[tilespmem:$0x1FB90] =	vst v63  }
0x16c: {  	_ =	swait.ge [sflag:s8], $0x500  }
0x16d: {  	[sflag:s8] =	ssyncset.done $0x0  }
0x16e: {  	[sflag:s8] =	ssyncadd.s32 $0xFFFFFB00  }
0x16f: {  	[tilespmem:s9], [sflag:$0x3] =	stream.linear.gather [spmem:s1], $0x410, $0x38;
	[tilespmem:$0x1FB90] =	vst v63  }
0x170: {  	_ =	swait.ge [sflag:s8], $0x410  }
0x171: {  	[sflag:s8] =	ssyncset.done $0x0  }
0x172: {  	s24 =	rddreg [dreg:$0x15];
	[sflag:s8] =	ssyncadd.s32 $0xFFFFFBF0  }
0x173: {  	[hbm4b:s24+s5] =	stream.linear.scatter [tilespmem:s9], [sflag:$0x3], $0x410, $0x38;
	[tilespmem:$0x1FB90] =	vst v63  }
0x174: {  	_ =	swait.ge [sflag:s8], $0x410  }
0x175: {  	s22 =	sadd.s32 $0x1, s22;
	s25 =	rddreg [dreg:$0x16]  }
0x176: {  	p0 =	sne.s32 s22, s25  }
.Ltmp3:
0x177: {  	_ = 	snop;
	(pc) =	sbr.rel @p0 .LBB2_1-.Ltmp3, $3  }
0x178: {  	_ =	sdelay $0x1  }
0x179: {  	[sflag:s8] =	ssyncset.done $0x0  }
0x17a: {  	[sflag:s8] =	ssyncadd.s32 $0xFFFFFBF0  }
0x17b: {  	_ =	sfence.sel $0x180000  }
0x17c: {  	[bflag:$0x0] =	sbarrier.arrive $0xFFFF  }
0x17d: {  	_ =	strace $0x90000047  }
0x17e: {  	s0 =	stileid.u32;
	[bflag:$0x2] =	sbarrier.arrive $0xFFFF  }
0x17f: {  	p0 =	sne.s32 s0, $0x0;
	s0 =	rddreg [dreg:$0x5]  }
0x180: {  	s0 =	sadd.s32 @!p0 $0x100000, s0  }
0x181: {  	[sflag:s0] =	ssyncadd.tile.s32 @!p0 $0x1;
	_ =	shalt  }
.Lfunc_end2:
_tile_overlayer_lowered:
.L_overlay_start_2:
0x182: {  	(tag) =	ssettag $0x2  }
0x183: {  	s0 =	rddreg [dreg:$0x0];
	s2 =	stileid.u32  }
0x184: {  	s1 =	rddreg [dreg:$0x1];
	p0 =	sne.s32 s2, $0x0  }
0x185: {  	s3 =	rddreg [dreg:$0x2];
	[bflag:$0x3] =	sbarrier.arrive $0xFFFF;
	s2 =	simm.s32 @!p0 $0x1C03  }
0x186: {  	[timem:s3], [sflag:s2] =	dma.local @!p0 [hbm:s0], s1  }
0x187: {  	s0 =	simm.s32 @!p0 $0x3  }
0x188: {  	_ =	swait.ge @!p0 [sflag:s0], s1  }
0x189: {  	s1 =	ssub.s32 @!p0 $0x0, s1;
	[sflag:s0] =	ssyncset.done @!p0 $0x0  }
0x18a: {  	[sflag:s0] =	ssyncadd.s32 @!p0 s1  }
0x18b: {  	[bflag:$0x3] =	sbarrier.arrive $0xFFFF  }
0x18c: {  	_ =	shalt  }

</sc_bundles>
